<compile_context>
chip_gen: v7x
topology: tpu7x:2x2x1
jax: 0.10.2.dev20260603
libtpu: 0.0.44.dev20260713+nightly
codegen_flags: <defaults>
</compile_context>

<pallas_src>
import functools

import jax
import jax.numpy as jnp
from jax import lax
from jax.experimental import pallas as pl
from jax.experimental.pallas import tpu as pltpu
from jax.experimental.pallas import tpu_sc as plsc

N = 512
E = 16384
EDGE_DIM = 16
MAX_PATH = 5
NPAIR = N * N
NC, NS, L = 2, 16, 16
NW = NC * NS
PAIRS_PER_W = NPAIR // NW
CHUNK = 2048
NCHUNK = PAIRS_PER_W // CHUNK

_F32_MAX = 3.4028235e38


def _table_body(wt_ref, attr_ref, *out_refs):
    s = lax.dot_general(
        wt_ref[...], attr_ref[...],
        dimension_numbers=(((1,), (1,)), ((), ())),
        preferred_element_type=jnp.float32)
    for hop, o_ref in enumerate(out_refs):
        o_ref[...] = s[hop]


def _make_table(edge_weights, edge_attr):
    return pl.pallas_call(
        _table_body,
        out_shape=[jax.ShapeDtypeStruct((E,), jnp.float32)] * MAX_PATH,
    )(edge_weights, edge_attr)


@functools.partial(
    pl.kernel,
    out_type=jax.ShapeDtypeStruct((NPAIR,), jnp.float32),
    mesh=plsc.VectorSubcoreMesh(core_axis_name="c", subcore_axis_name="s"),
    compiler_params=pltpu.CompilerParams(needs_layout_passes=False),
    scratch_types=[
        pltpu.VMEM((MAX_PATH * E,), jnp.float32),
        pltpu.VMEM((2 * MAX_PATH * CHUNK,), jnp.int32),
        pltpu.VMEM((2 * CHUNK,), jnp.float32),
        pltpu.SemaphoreType.DMA,
        pltpu.SemaphoreType.DMA,
        pltpu.SemaphoreType.DMA,
        pltpu.SemaphoreType.DMA,
    ],
)
def _sc_gather(t0, t1, t2, t3, t4, paths_hbm, out_hbm, table_v, paths_v, out_v,
               psem0, psem1, osem0, osem1):
    tables_hbm = (t0, t1, t2, t3, t4)
    wid = lax.axis_index("s") * NC + lax.axis_index("c")
    base = wid * PAIRS_PER_W
    psems = (psem0, psem1)
    osems = (osem0, osem1)

    def paths_copy(ci, buf, hop):
        return pltpu.make_async_copy(
            paths_hbm.at[pl.ds(hop * NPAIR + base + ci * CHUNK, CHUNK)],
            paths_v.at[pl.ds((buf * MAX_PATH + hop) * CHUNK, CHUNK)],
            psems[buf])

    def out_copy(ci, buf):
        return pltpu.make_async_copy(
            out_v.at[pl.ds(buf * CHUNK, CHUNK)],
            out_hbm.at[pl.ds(base + ci * CHUNK, CHUNK)],
            osems[buf])

    for hop in range(MAX_PATH):
        paths_copy(0, 0, hop).start()
    pltpu.sync_copy(
        list(tables_hbm),
        [table_v.at[pl.ds(hop * E, E)] for hop in range(MAX_PATH)])

    out_pending = [None, None]
    for ci in range(NCHUNK):
        buf = ci % 2
        for hop in range(MAX_PATH):
            paths_copy(ci, buf, hop).wait()
        if ci + 1 < NCHUNK:
            nbuf = (ci + 1) % 2
            for hop in range(MAX_PATH):
                paths_copy(ci + 1, nbuf, hop).start()
        if out_pending[buf] is not None:
            out_pending[buf].wait()
            out_pending[buf] = None
        pbase = buf * MAX_PATH * CHUNK
        obase = buf * CHUNK

        @plsc.parallel_loop(0, CHUNK, step=L, unroll=3)
        def group_body(i):
            acc = plsc.load_gather(table_v, [paths_v[pl.ds(pbase + i, L)]])
            for hop in range(1, MAX_PATH):
                idx = paths_v[pl.ds(pbase + hop * CHUNK + i, L)] + hop * E
                acc = acc + plsc.load_gather(table_v, [idx])
            acc = acc * jnp.float32(1.0 / MAX_PATH)
            acc = jnp.where(acc != acc, jnp.float32(0.0), acc)
            acc = jnp.clip(acc, -_F32_MAX, _F32_MAX)
            out_v[pl.ds(obase + i, L)] = acc

        desc = out_copy(ci, buf)
        desc.start()
        out_pending[buf] = desc
    for d in out_pending:
        if d is not None:
            d.wait()


def kernel(x, edge_attr, edge_paths, edge_weights):
    del x
    paths = edge_paths.astype(jnp.int32).transpose(2, 0, 1).reshape(MAX_PATH * NPAIR)
    tables = _make_table(edge_weights, edge_attr)
    out = _sc_gather(*tables, paths)
    return out.reshape(N, N)

# --- scband reference (transcript-rebuilt; emitter-appended) ---
"""Pipeline reference for scband-edge-encoding-57354993271160 (READ-ONLY COPY).

The authoritative reference and input builder live on the scoring server;
editing this copy changes nothing except your own understanding.
"""

import jax, jax.numpy as jnp
import numpy as np

N = 512
E = 16384
EDGE_DIM = 16
MAX_PATH = 5

def setup_inputs(seed: int = 0) -> dict:
    key = jax.random.key(seed)
    k1, k2, k3, k4 = jax.random.split(key, 4)
    x = jax.random.normal(k1, (N, 64), dtype=jnp.float32)
    edge_attr = jax.random.normal(k2, (E, EDGE_DIM), dtype=jnp.float32)
    edge_paths = jax.random.randint(k3, (N, N, MAX_PATH), 0, E, dtype=jnp.int64)
    edge_weights = jax.random.normal(k4, (MAX_PATH, EDGE_DIM), dtype=jnp.float32)
    return {"x": x, "edge_attr": edge_attr, "edge_paths": edge_paths, "edge_weights": edge_weights}

def reference(x, edge_attr, edge_paths, edge_weights):
    # Tensorized Graphormer edge encoding.
    # Original loops over dict-of-dicts {src: {dst: path_edge_ids}}; here
    # edge_paths is a dense [N, N, L] tensor of edge ids (all paths full length L).
    # For each (src, dst): gather edge features along the path, weight each hop
    # by the learned per-hop weight vector, dot over edge_dim, reduce over hops.
    path_feats = jnp.take(edge_attr, edge_paths, axis=0)  # [N, N, L, edge_dim] gather
    enc = (edge_weights[None, None, :, :] * path_feats).sum(axis=-1)  # [N, N, L]
    cij = enc.mean(axis=-1)  # [N, N]
    return jnp.nan_to_num(cij)

if __name__ == "__main__":
    import jax
    _d = setup_inputs()
    print(jax.jit(kernel)(*tuple(_d.values())))

</pallas_src>

<mosaic_0001>
#map = affine_map<(d0, d1) -> (0)>
module attributes {stable_mosaic.version = 14 : i64} {
  func.func @_sc_gather(%arg0: i32, %arg1: i32, %arg2: memref<16384xf32, #tpu.memory_space<hbm>>, %arg3: memref<16384xf32, #tpu.memory_space<hbm>>, %arg4: memref<16384xf32, #tpu.memory_space<hbm>>, %arg5: memref<16384xf32, #tpu.memory_space<hbm>>, %arg6: memref<16384xf32, #tpu.memory_space<hbm>>, %arg7: memref<1310720xi32, #tpu.memory_space<hbm>>, %arg8: memref<262144xf32, #tpu.memory_space<hbm>>, %arg9: memref<81920xf32, #tpu.memory_space<vmem>>, %arg10: memref<20480xi32, #tpu.memory_space<vmem>>, %arg11: memref<4096xf32, #tpu.memory_space<vmem>>, %arg12: memref<!tpu.dma_semaphore, #tpu.memory_space<semaphore_mem>>, %arg13: memref<!tpu.dma_semaphore, #tpu.memory_space<semaphore_mem>>, %arg14: memref<!tpu.dma_semaphore, #tpu.memory_space<semaphore_mem>>, %arg15: memref<!tpu.dma_semaphore, #tpu.memory_space<semaphore_mem>>) attributes {dimension_semantics = [#tpu.dimension_semantics<core_parallel>, #tpu.dimension_semantics<subcore_parallel>], iteration_bounds = array<i64: 2, 16>, scalar_prefetch = 0 : i64, scratch_operands = 7 : i64, tpu.core_type = #tpu.core_type<sc_vector_subcore>, window_params = [{transform_indices = #map}, {transform_indices = #map}, {transform_indices = #map}, {transform_indices = #map}, {transform_indices = #map}, {transform_indices = #map}, {transform_indices = #map}]} {
    %mul3A = arith.constant 2 : i32
    %mul3A_0 = arith.muli %arg1, %mul3A : i32
    %add3A = arith.addi %mul3A_0, %arg0 : i32
    %mul3A_1 = arith.constant 8192 : i32
    %mul3A_2 = arith.muli %add3A, %mul3A_1 : i32
    %add3A_3 = arith.constant 0 : i32
    %add3A_4 = arith.addi %add3A_3, %mul3A_2 : i32
    %add3A_5 = arith.constant 0 : i32
    %add3A_6 = arith.addi %add3A_4, %add3A_5 : i32
    %dma_start3A = arith.constant 0 : i32
    %dma_start3A_7 = tpu.memref_slice %arg10[%dma_start3A] : memref<20480xi32, #tpu.memory_space<vmem>> -> memref<2048xi32, #tpu.memory_space<vmem>>
    %dma_start3A_8 = tpu.memref_slice %arg7[%add3A_6] : memref<1310720xi32, #tpu.memory_space<hbm>> -> memref<2048xi32, #tpu.memory_space<hbm>>
    %dma_start3A_9 = arith.constant 0 : i32
    %dma_start3A_10 = tpu.memref_slice %arg10[%dma_start3A_9] : memref<20480xi32, #tpu.memory_space<vmem>> -> memref<2048xi32, #tpu.memory_space<vmem>>
    %dma_start3A_11 = tpu.memref_slice %arg7[%add3A_6] : memref<1310720xi32, #tpu.memory_space<hbm>> -> memref<2048xi32, #tpu.memory_space<hbm>>
    tpu.enqueue_dma source(%dma_start3A_11 : memref<2048xi32, #tpu.memory_space<hbm>>) target(%dma_start3A_10 : memref<2048xi32, #tpu.memory_space<vmem>>) target_semaphore(%arg12 : memref<!tpu.dma_semaphore, #tpu.memory_space<semaphore_mem>>)
    %add3A_12 = arith.constant 262144 : i32
    %add3A_13 = arith.addi %add3A_12, %mul3A_2 : i32
    %add3A_14 = arith.constant 0 : i32
    %add3A_15 = arith.addi %add3A_13, %add3A_14 : i32
    %dma_start3A_16 = arith.constant 2048 : i32
    %dma_start3A_17 = tpu.memref_slice %arg10[%dma_start3A_16] : memref<20480xi32, #tpu.memory_space<vmem>> -> memref<2048xi32, #tpu.memory_space<vmem>>
    %dma_start3A_18 = tpu.memref_slice %arg7[%add3A_15] : memref<1310720xi32, #tpu.memory_space<hbm>> -> memref<2048xi32, #tpu.memory_space<hbm>>
    %dma_start3A_19 = arith.constant 2048 : i32
    %dma_start3A_20 = tpu.memref_slice %arg10[%dma_start3A_19] : memref<20480xi32, #tpu.memory_space<vmem>> -> memref<2048xi32, #tpu.memory_space<vmem>>
    %dma_start3A_21 = tpu.memref_slice %arg7[%add3A_15] : memref<1310720xi32, #tpu.memory_space<hbm>> -> memref<2048xi32, #tpu.memory_space<hbm>>
    tpu.enqueue_dma source(%dma_start3A_21 : memref<2048xi32, #tpu.memory_space<hbm>>) target(%dma_start3A_20 : memref<2048xi32, #tpu.memory_space<vmem>>) target_semaphore(%arg12 : memref<!tpu.dma_semaphore, #tpu.memory_space<semaphore_mem>>)
    %add3A_22 = arith.constant 524288 : i32
    %add3A_23 = arith.addi %add3A_22, %mul3A_2 : i32
    %add3A_24 = arith.constant 0 : i32
    %add3A_25 = arith.addi %add3A_23, %add3A_24 : i32
    %dma_start3A_26 = arith.constant 4096 : i32
    %dma_start3A_27 = tpu.memref_slice %arg10[%dma_start3A_26] : memref<20480xi32, #tpu.memory_space<vmem>> -> memref<2048xi32, #tpu.memory_space<vmem>>
    %dma_start3A_28 = tpu.memref_slice %arg7[%add3A_25] : memref<1310720xi32, #tpu.memory_space<hbm>> -> memref<2048xi32, #tpu.memory_space<hbm>>
    %dma_start3A_29 = arith.constant 4096 : i32
    %dma_start3A_30 = tpu.memref_slice %arg10[%dma_start3A_29] : memref<20480xi32, #tpu.memory_space<vmem>> -> memref<2048xi32, #tpu.memory_space<vmem>>
    %dma_start3A_31 = tpu.memref_slice %arg7[%add3A_25] : memref<1310720xi32, #tpu.memory_space<hbm>> -> memref<2048xi32, #tpu.memory_space<hbm>>
    tpu.enqueue_dma source(%dma_start3A_31 : memref<2048xi32, #tpu.memory_space<hbm>>) target(%dma_start3A_30 : memref<2048xi32, #tpu.memory_space<vmem>>) target_semaphore(%arg12 : memref<!tpu.dma_semaphore, #tpu.memory_space<semaphore_mem>>)
    %add3A_32 = arith.constant 786432 : i32
    %add3A_33 = arith.addi %add3A_32, %mul3A_2 : i32
    %add3A_34 = arith.constant 0 : i32
    %add3A_35 = arith.addi %add3A_33, %add3A_34 : i32
    %dma_start3A_36 = arith.constant 6144 : i32
    %dma_start3A_37 = tpu.memref_slice %arg10[%dma_start3A_36] : memref<20480xi32, #tpu.memory_space<vmem>> -> memref<2048xi32, #tpu.memory_space<vmem>>
    %dma_start3A_38 = tpu.memref_slice %arg7[%add3A_35] : memref<1310720xi32, #tpu.memory_space<hbm>> -> memref<2048xi32, #tpu.memory_space<hbm>>
    %dma_start3A_39 = arith.constant 6144 : i32
    %dma_start3A_40 = tpu.memref_slice %arg10[%dma_start3A_39] : memref<20480xi32, #tpu.memory_space<vmem>> -> memref<2048xi32, #tpu.memory_space<vmem>>
    %dma_start3A_41 = tpu.memref_slice %arg7[%add3A_35] : memref<1310720xi32, #tpu.memory_space<hbm>> -> memref<2048xi32, #tpu.memory_space<hbm>>
    tpu.enqueue_dma source(%dma_start3A_41 : memref<2048xi32, #tpu.memory_space<hbm>>) target(%dma_start3A_40 : memref<2048xi32, #tpu.memory_space<vmem>>) target_semaphore(%arg12 : memref<!tpu.dma_semaphore, #tpu.memory_space<semaphore_mem>>)
    %add3A_42 = arith.constant 1048576 : i32
    %add3A_43 = arith.addi %add3A_42, %mul3A_2 : i32
    %add3A_44 = arith.constant 0 : i32
    %add3A_45 = arith.addi %add3A_43, %add3A_44 : i32
    %dma_start3A_46 = arith.constant 8192 : i32
    %dma_start3A_47 = tpu.memref_slice %arg10[%dma_start3A_46] : memref<20480xi32, #tpu.memory_space<vmem>> -> memref<2048xi32, #tpu.memory_space<vmem>>
    %dma_start3A_48 = tpu.memref_slice %arg7[%add3A_45] : memref<1310720xi32, #tpu.memory_space<hbm>> -> memref<2048xi32, #tpu.memory_space<hbm>>
    %dma_start3A_49 = arith.constant 8192 : i32
    %dma_start3A_50 = tpu.memref_slice %arg10[%dma_start3A_49] : memref<20480xi32, #tpu.memory_space<vmem>> -> memref<2048xi32, #tpu.memory_space<vmem>>
    %dma_start3A_51 = tpu.memref_slice %arg7[%add3A_45] : memref<1310720xi32, #tpu.memory_space<hbm>> -> memref<2048xi32, #tpu.memory_space<hbm>>
    tpu.enqueue_dma source(%dma_start3A_51 : memref<2048xi32, #tpu.memory_space<hbm>>) target(%dma_start3A_50 : memref<2048xi32, #tpu.memory_space<vmem>>) target_semaphore(%arg12 : memref<!tpu.dma_semaphore, #tpu.memory_space<semaphore_mem>>)
    "tpu.region"() ({
      %run_scoped3A = tpu.sem_alloc : memref<!tpu.dma_semaphore, #tpu.memory_space<semaphore_mem>>
      %dma_start3A_468 = arith.constant 0 : i32
      %dma_start3A_469 = tpu.memref_slice %arg9[%dma_start3A_468] : memref<81920xf32, #tpu.memory_space<vmem>> -> memref<16384xf32, #tpu.memory_space<vmem>>
      %dma_start3A_470 = arith.constant 0 : i32
      %dma_start3A_471 = tpu.memref_slice %arg9[%dma_start3A_470] : memref<81920xf32, #tpu.memory_space<vmem>> -> memref<16384xf32, #tpu.memory_space<vmem>>
      tpu.enqueue_dma source(%arg2 : memref<16384xf32, #tpu.memory_space<hbm>>) target(%dma_start3A_471 : memref<16384xf32, #tpu.memory_space<vmem>>) target_semaphore(%run_scoped3A : memref<!tpu.dma_semaphore, #tpu.memory_space<semaphore_mem>>)
      %dma_start3A_472 = arith.constant 16384 : i32
      %dma_start3A_473 = tpu.memref_slice %arg9[%dma_start3A_472] : memref<81920xf32, #tpu.memory_space<vmem>> -> memref<16384xf32, #tpu.memory_space<vmem>>
      %dma_start3A_474 = arith.constant 16384 : i32
      %dma_start3A_475 = tpu.memref_slice %arg9[%dma_start3A_474] : memref<81920xf32, #tpu.memory_space<vmem>> -> memref<16384xf32, #tpu.memory_space<vmem>>
      tpu.enqueue_dma source(%arg3 : memref<16384xf32, #tpu.memory_space<hbm>>) target(%dma_start3A_475 : memref<16384xf32, #tpu.memory_space<vmem>>) target_semaphore(%run_scoped3A : memref<!tpu.dma_semaphore, #tpu.memory_space<semaphore_mem>>)
      %dma_start3A_476 = arith.constant 32768 : i32
      %dma_start3A_477 = tpu.memref_slice %arg9[%dma_start3A_476] : memref<81920xf32, #tpu.memory_space<vmem>> -> memref<16384xf32, #tpu.memory_space<vmem>>
      %dma_start3A_478 = arith.constant 32768 : i32
      %dma_start3A_479 = tpu.memref_slice %arg9[%dma_start3A_478] : memref<81920xf32, #tpu.memory_space<vmem>> -> memref<16384xf32, #tpu.memory_space<vmem>>
      tpu.enqueue_dma source(%arg4 : memref<16384xf32, #tpu.memory_space<hbm>>) target(%dma_start3A_479 : memref<16384xf32, #tpu.memory_space<vmem>>) target_semaphore(%run_scoped3A : memref<!tpu.dma_semaphore, #tpu.memory_space<semaphore_mem>>)
      %dma_start3A_480 = arith.constant 49152 : i32
      %dma_start3A_481 = tpu.memref_slice %arg9[%dma_start3A_480] : memref<81920xf32, #tpu.memory_space<vmem>> -> memref<16384xf32, #tpu.memory_space<vmem>>
      %dma_start3A_482 = arith.constant 49152 : i32
      %dma_start3A_483 = tpu.memref_slice %arg9[%dma_start3A_482] : memref<81920xf32, #tpu.memory_space<vmem>> -> memref<16384xf32, #tpu.memory_space<vmem>>
      tpu.enqueue_dma source(%arg5 : memref<16384xf32, #tpu.memory_space<hbm>>) target(%dma_start3A_483 : memref<16384xf32, #tpu.memory_space<vmem>>) target_semaphore(%run_scoped3A : memref<!tpu.dma_semaphore, #tpu.memory_space<semaphore_mem>>)
      %dma_start3A_484 = arith.constant 65536 : i32
      %dma_start3A_485 = tpu.memref_slice %arg9[%dma_start3A_484] : memref<81920xf32, #tpu.memory_space<vmem>> -> memref<16384xf32, #tpu.memory_space<vmem>>
      %dma_start3A_486 = arith.constant 65536 : i32
      %dma_start3A_487 = tpu.memref_slice %arg9[%dma_start3A_486] : memref<81920xf32, #tpu.memory_space<vmem>> -> memref<16384xf32, #tpu.memory_space<vmem>>
      tpu.enqueue_dma source(%arg6 : memref<16384xf32, #tpu.memory_space<hbm>>) target(%dma_start3A_487 : memref<16384xf32, #tpu.memory_space<vmem>>) target_semaphore(%run_scoped3A : memref<!tpu.dma_semaphore, #tpu.memory_space<semaphore_mem>>)
      %dma_wait3A_488 = arith.constant 0 : i32
      %dma_wait3A_489 = tpu.memref_slice %arg9[%dma_wait3A_488] : memref<81920xf32, #tpu.memory_space<vmem>> -> memref<16384xf32, #tpu.memory_space<vmem>>
      %dma_wait3A_490 = arith.constant 0 : i32
      %dma_wait3A_491 = tpu.memref_slice %arg9[%dma_wait3A_490] : memref<81920xf32, #tpu.memory_space<vmem>> -> memref<16384xf32, #tpu.memory_space<vmem>>
      tpu.wait_dma2 semaphore(%run_scoped3A : memref<!tpu.dma_semaphore, #tpu.memory_space<semaphore_mem>>) src(%arg2 : memref<16384xf32, #tpu.memory_space<hbm>>) dst(%dma_wait3A_491 : memref<16384xf32, #tpu.memory_space<vmem>>)
      %dma_wait3A_492 = arith.constant 16384 : i32
      %dma_wait3A_493 = tpu.memref_slice %arg9[%dma_wait3A_492] : memref<81920xf32, #tpu.memory_space<vmem>> -> memref<16384xf32, #tpu.memory_space<vmem>>
      %dma_wait3A_494 = arith.constant 16384 : i32
      %dma_wait3A_495 = tpu.memref_slice %arg9[%dma_wait3A_494] : memref<81920xf32, #tpu.memory_space<vmem>> -> memref<16384xf32, #tpu.memory_space<vmem>>
      tpu.wait_dma2 semaphore(%run_scoped3A : memref<!tpu.dma_semaphore, #tpu.memory_space<semaphore_mem>>) src(%arg3 : memref<16384xf32, #tpu.memory_space<hbm>>) dst(%dma_wait3A_495 : memref<16384xf32, #tpu.memory_space<vmem>>)
      %dma_wait3A_496 = arith.constant 32768 : i32
      %dma_wait3A_497 = tpu.memref_slice %arg9[%dma_wait3A_496] : memref<81920xf32, #tpu.memory_space<vmem>> -> memref<16384xf32, #tpu.memory_space<vmem>>
      %dma_wait3A_498 = arith.constant 32768 : i32
      %dma_wait3A_499 = tpu.memref_slice %arg9[%dma_wait3A_498] : memref<81920xf32, #tpu.memory_space<vmem>> -> memref<16384xf32, #tpu.memory_space<vmem>>
      tpu.wait_dma2 semaphore(%run_scoped3A : memref<!tpu.dma_semaphore, #tpu.memory_space<semaphore_mem>>) src(%arg4 : memref<16384xf32, #tpu.memory_space<hbm>>) dst(%dma_wait3A_499 : memref<16384xf32, #tpu.memory_space<vmem>>)
      %dma_wait3A_500 = arith.constant 49152 : i32
      %dma_wait3A_501 = tpu.memref_slice %arg9[%dma_wait3A_500] : memref<81920xf32, #tpu.memory_space<vmem>> -> memref<16384xf32, #tpu.memory_space<vmem>>
      %dma_wait3A_502 = arith.constant 49152 : i32
      %dma_wait3A_503 = tpu.memref_slice %arg9[%dma_wait3A_502] : memref<81920xf32, #tpu.memory_space<vmem>> -> memref<16384xf32, #tpu.memory_space<vmem>>
      tpu.wait_dma2 semaphore(%run_scoped3A : memref<!tpu.dma_semaphore, #tpu.memory_space<semaphore_mem>>) src(%arg5 : memref<16384xf32, #tpu.memory_space<hbm>>) dst(%dma_wait3A_503 : memref<16384xf32, #tpu.memory_space<vmem>>)
      %dma_wait3A_504 = arith.constant 65536 : i32
      %dma_wait3A_505 = tpu.memref_slice %arg9[%dma_wait3A_504] : memref<81920xf32, #tpu.memory_space<vmem>> -> memref<16384xf32, #tpu.memory_space<vmem>>
      %dma_wait3A_506 = arith.constant 65536 : i32
      %dma_wait3A_507 = tpu.memref_slice %arg9[%dma_wait3A_506] : memref<81920xf32, #tpu.memory_space<vmem>> -> memref<16384xf32, #tpu.memory_space<vmem>>
      tpu.wait_dma2 semaphore(%run_scoped3A : memref<!tpu.dma_semaphore, #tpu.memory_space<semaphore_mem>>) src(%arg6 : memref<16384xf32, #tpu.memory_space<hbm>>) dst(%dma_wait3A_507 : memref<16384xf32, #tpu.memory_space<vmem>>)
      tpu.yield
    }) : () -> ()
    %add3A_52 = arith.constant 0 : i32
    %add3A_53 = arith.addi %add3A_52, %mul3A_2 : i32
    %add3A_54 = arith.constant 0 : i32
    %add3A_55 = arith.addi %add3A_53, %add3A_54 : i32
    %dma_wait3A = arith.constant 0 : i32
    %dma_wait3A_56 = tpu.memref_slice %arg10[%dma_wait3A] : memref<20480xi32, #tpu.memory_space<vmem>> -> memref<2048xi32, #tpu.memory_space<vmem>>
    %dma_wait3A_57 = tpu.memref_slice %arg7[%add3A_55] : memref<1310720xi32, #tpu.memory_space<hbm>> -> memref<2048xi32, #tpu.memory_space<hbm>>
    %dma_wait3A_58 = arith.constant 0 : i32
    %dma_wait3A_59 = tpu.memref_slice %arg10[%dma_wait3A_58] : memref<20480xi32, #tpu.memory_space<vmem>> -> memref<2048xi32, #tpu.memory_space<vmem>>
    %dma_wait3A_60 = tpu.memref_slice %arg7[%add3A_55] : memref<1310720xi32, #tpu.memory_space<hbm>> -> memref<2048xi32, #tpu.memory_space<hbm>>
    tpu.wait_dma2 semaphore(%arg12 : memref<!tpu.dma_semaphore, #tpu.memory_space<semaphore_mem>>) src(%dma_wait3A_60 : memref<2048xi32, #tpu.memory_space<hbm>>) dst(%dma_wait3A_59 : memref<2048xi32, #tpu.memory_space<vmem>>)
    %add3A_61 = arith.constant 262144 : i32
    %add3A_62 = arith.addi %add3A_61, %mul3A_2 : i32
    %add3A_63 = arith.constant 0 : i32
    %add3A_64 = arith.addi %add3A_62, %add3A_63 : i32
    %dma_wait3A_65 = arith.constant 2048 : i32
    %dma_wait3A_66 = tpu.memref_slice %arg10[%dma_wait3A_65] : memref<20480xi32, #tpu.memory_space<vmem>> -> memref<2048xi32, #tpu.memory_space<vmem>>
    %dma_wait3A_67 = tpu.memref_slice %arg7[%add3A_64] : memref<1310720xi32, #tpu.memory_space<hbm>> -> memref<2048xi32, #tpu.memory_space<hbm>>
    %dma_wait3A_68 = arith.constant 2048 : i32
    %dma_wait3A_69 = tpu.memref_slice %arg10[%dma_wait3A_68] : memref<20480xi32, #tpu.memory_space<vmem>> -> memref<2048xi32, #tpu.memory_space<vmem>>
    %dma_wait3A_70 = tpu.memref_slice %arg7[%add3A_64] : memref<1310720xi32, #tpu.memory_space<hbm>> -> memref<2048xi32, #tpu.memory_space<hbm>>
    tpu.wait_dma2 semaphore(%arg12 : memref<!tpu.dma_semaphore, #tpu.memory_space<semaphore_mem>>) src(%dma_wait3A_70 : memref<2048xi32, #tpu.memory_space<hbm>>) dst(%dma_wait3A_69 : memref<2048xi32, #tpu.memory_space<vmem>>)
    %add3A_71 = arith.constant 524288 : i32
    %add3A_72 = arith.addi %add3A_71, %mul3A_2 : i32
    %add3A_73 = arith.constant 0 : i32
    %add3A_74 = arith.addi %add3A_72, %add3A_73 : i32
    %dma_wait3A_75 = arith.constant 4096 : i32
    %dma_wait3A_76 = tpu.memref_slice %arg10[%dma_wait3A_75] : memref<20480xi32, #tpu.memory_space<vmem>> -> memref<2048xi32, #tpu.memory_space<vmem>>
    %dma_wait3A_77 = tpu.memref_slice %arg7[%add3A_74] : memref<1310720xi32, #tpu.memory_space<hbm>> -> memref<2048xi32, #tpu.memory_space<hbm>>
    %dma_wait3A_78 = arith.constant 4096 : i32
    %dma_wait3A_79 = tpu.memref_slice %arg10[%dma_wait3A_78] : memref<20480xi32, #tpu.memory_space<vmem>> -> memref<2048xi32, #tpu.memory_space<vmem>>
    %dma_wait3A_80 = tpu.memref_slice %arg7[%add3A_74] : memref<1310720xi32, #tpu.memory_space<hbm>> -> memref<2048xi32, #tpu.memory_space<hbm>>
    tpu.wait_dma2 semaphore(%arg12 : memref<!tpu.dma_semaphore, #tpu.memory_space<semaphore_mem>>) src(%dma_wait3A_80 : memref<2048xi32, #tpu.memory_space<hbm>>) dst(%dma_wait3A_79 : memref<2048xi32, #tpu.memory_space<vmem>>)
    %add3A_81 = arith.constant 786432 : i32
    %add3A_82 = arith.addi %add3A_81, %mul3A_2 : i32
    %add3A_83 = arith.constant 0 : i32
    %add3A_84 = arith.addi %add3A_82, %add3A_83 : i32
    %dma_wait3A_85 = arith.constant 6144 : i32
    %dma_wait3A_86 = tpu.memref_slice %arg10[%dma_wait3A_85] : memref<20480xi32, #tpu.memory_space<vmem>> -> memref<2048xi32, #tpu.memory_space<vmem>>
    %dma_wait3A_87 = tpu.memref_slice %arg7[%add3A_84] : memref<1310720xi32, #tpu.memory_space<hbm>> -> memref<2048xi32, #tpu.memory_space<hbm>>
    %dma_wait3A_88 = arith.constant 6144 : i32
    %dma_wait3A_89 = tpu.memref_slice %arg10[%dma_wait3A_88] : memref<20480xi32, #tpu.memory_space<vmem>> -> memref<2048xi32, #tpu.memory_space<vmem>>
    %dma_wait3A_90 = tpu.memref_slice %arg7[%add3A_84] : memref<1310720xi32, #tpu.memory_space<hbm>> -> memref<2048xi32, #tpu.memory_space<hbm>>
    tpu.wait_dma2 semaphore(%arg12 : memref<!tpu.dma_semaphore, #tpu.memory_space<semaphore_mem>>) src(%dma_wait3A_90 : memref<2048xi32, #tpu.memory_space<hbm>>) dst(%dma_wait3A_89 : memref<2048xi32, #tpu.memory_space<vmem>>)
    %add3A_91 = arith.constant 1048576 : i32
    %add3A_92 = arith.addi %add3A_91, %mul3A_2 : i32
    %add3A_93 = arith.constant 0 : i32
    %add3A_94 = arith.addi %add3A_92, %add3A_93 : i32
    %dma_wait3A_95 = arith.constant 8192 : i32
    %dma_wait3A_96 = tpu.memref_slice %arg10[%dma_wait3A_95] : memref<20480xi32, #tpu.memory_space<vmem>> -> memref<2048xi32, #tpu.memory_space<vmem>>
    %dma_wait3A_97 = tpu.memref_slice %arg7[%add3A_94] : memref<1310720xi32, #tpu.memory_space<hbm>> -> memref<2048xi32, #tpu.memory_space<hbm>>
    %dma_wait3A_98 = arith.constant 8192 : i32
    %dma_wait3A_99 = tpu.memref_slice %arg10[%dma_wait3A_98] : memref<20480xi32, #tpu.memory_space<vmem>> -> memref<2048xi32, #tpu.memory_space<vmem>>
    %dma_wait3A_100 = tpu.memref_slice %arg7[%add3A_94] : memref<1310720xi32, #tpu.memory_space<hbm>> -> memref<2048xi32, #tpu.memory_space<hbm>>
    tpu.wait_dma2 semaphore(%arg12 : memref<!tpu.dma_semaphore, #tpu.memory_space<semaphore_mem>>) src(%dma_wait3A_100 : memref<2048xi32, #tpu.memory_space<hbm>>) dst(%dma_wait3A_99 : memref<2048xi32, #tpu.memory_space<vmem>>)
    %add3A_101 = arith.constant 0 : i32
    %add3A_102 = arith.addi %add3A_101, %mul3A_2 : i32
    %add3A_103 = arith.constant 2048 : i32
    %add3A_104 = arith.addi %add3A_102, %add3A_103 : i32
    %dma_start3A_105 = arith.constant 10240 : i32
    %dma_start3A_106 = tpu.memref_slice %arg10[%dma_start3A_105] : memref<20480xi32, #tpu.memory_space<vmem>> -> memref<2048xi32, #tpu.memory_space<vmem>>
    %dma_start3A_107 = tpu.memref_slice %arg7[%add3A_104] : memref<1310720xi32, #tpu.memory_space<hbm>> -> memref<2048xi32, #tpu.memory_space<hbm>>
    %dma_start3A_108 = arith.constant 10240 : i32
    %dma_start3A_109 = tpu.memref_slice %arg10[%dma_start3A_108] : memref<20480xi32, #tpu.memory_space<vmem>> -> memref<2048xi32, #tpu.memory_space<vmem>>
    %dma_start3A_110 = tpu.memref_slice %arg7[%add3A_104] : memref<1310720xi32, #tpu.memory_space<hbm>> -> memref<2048xi32, #tpu.memory_space<hbm>>
    tpu.enqueue_dma source(%dma_start3A_110 : memref<2048xi32, #tpu.memory_space<hbm>>) target(%dma_start3A_109 : memref<2048xi32, #tpu.memory_space<vmem>>) target_semaphore(%arg13 : memref<!tpu.dma_semaphore, #tpu.memory_space<semaphore_mem>>)
    %add3A_111 = arith.constant 262144 : i32
    %add3A_112 = arith.addi %add3A_111, %mul3A_2 : i32
    %add3A_113 = arith.constant 2048 : i32
    %add3A_114 = arith.addi %add3A_112, %add3A_113 : i32
    %dma_start3A_115 = arith.constant 12288 : i32
    %dma_start3A_116 = tpu.memref_slice %arg10[%dma_start3A_115] : memref<20480xi32, #tpu.memory_space<vmem>> -> memref<2048xi32, #tpu.memory_space<vmem>>
    %dma_start3A_117 = tpu.memref_slice %arg7[%add3A_114] : memref<1310720xi32, #tpu.memory_space<hbm>> -> memref<2048xi32, #tpu.memory_space<hbm>>
    %dma_start3A_118 = arith.constant 12288 : i32
    %dma_start3A_119 = tpu.memref_slice %arg10[%dma_start3A_118] : memref<20480xi32, #tpu.memory_space<vmem>> -> memref<2048xi32, #tpu.memory_space<vmem>>
    %dma_start3A_120 = tpu.memref_slice %arg7[%add3A_114] : memref<1310720xi32, #tpu.memory_space<hbm>> -> memref<2048xi32, #tpu.memory_space<hbm>>
    tpu.enqueue_dma source(%dma_start3A_120 : memref<2048xi32, #tpu.memory_space<hbm>>) target(%dma_start3A_119 : memref<2048xi32, #tpu.memory_space<vmem>>) target_semaphore(%arg13 : memref<!tpu.dma_semaphore, #tpu.memory_space<semaphore_mem>>)
    %add3A_121 = arith.constant 524288 : i32
    %add3A_122 = arith.addi %add3A_121, %mul3A_2 : i32
    %add3A_123 = arith.constant 2048 : i32
    %add3A_124 = arith.addi %add3A_122, %add3A_123 : i32
    %dma_start3A_125 = arith.constant 14336 : i32
    %dma_start3A_126 = tpu.memref_slice %arg10[%dma_start3A_125] : memref<20480xi32, #tpu.memory_space<vmem>> -> memref<2048xi32, #tpu.memory_space<vmem>>
    %dma_start3A_127 = tpu.memref_slice %arg7[%add3A_124] : memref<1310720xi32, #tpu.memory_space<hbm>> -> memref<2048xi32, #tpu.memory_space<hbm>>
    %dma_start3A_128 = arith.constant 14336 : i32
    %dma_start3A_129 = tpu.memref_slice %arg10[%dma_start3A_128] : memref<20480xi32, #tpu.memory_space<vmem>> -> memref<2048xi32, #tpu.memory_space<vmem>>
    %dma_start3A_130 = tpu.memref_slice %arg7[%add3A_124] : memref<1310720xi32, #tpu.memory_space<hbm>> -> memref<2048xi32, #tpu.memory_space<hbm>>
    tpu.enqueue_dma source(%dma_start3A_130 : memref<2048xi32, #tpu.memory_space<hbm>>) target(%dma_start3A_129 : memref<2048xi32, #tpu.memory_space<vmem>>) target_semaphore(%arg13 : memref<!tpu.dma_semaphore, #tpu.memory_space<semaphore_mem>>)
    %add3A_131 = arith.constant 786432 : i32
    %add3A_132 = arith.addi %add3A_131, %mul3A_2 : i32
    %add3A_133 = arith.constant 2048 : i32
    %add3A_134 = arith.addi %add3A_132, %add3A_133 : i32
    %dma_start3A_135 = arith.constant 16384 : i32
    %dma_start3A_136 = tpu.memref_slice %arg10[%dma_start3A_135] : memref<20480xi32, #tpu.memory_space<vmem>> -> memref<2048xi32, #tpu.memory_space<vmem>>
    %dma_start3A_137 = tpu.memref_slice %arg7[%add3A_134] : memref<1310720xi32, #tpu.memory_space<hbm>> -> memref<2048xi32, #tpu.memory_space<hbm>>
    %dma_start3A_138 = arith.constant 16384 : i32
    %dma_start3A_139 = tpu.memref_slice %arg10[%dma_start3A_138] : memref<20480xi32, #tpu.memory_space<vmem>> -> memref<2048xi32, #tpu.memory_space<vmem>>
    %dma_start3A_140 = tpu.memref_slice %arg7[%add3A_134] : memref<1310720xi32, #tpu.memory_space<hbm>> -> memref<2048xi32, #tpu.memory_space<hbm>>
    tpu.enqueue_dma source(%dma_start3A_140 : memref<2048xi32, #tpu.memory_space<hbm>>) target(%dma_start3A_139 : memref<2048xi32, #tpu.memory_space<vmem>>) target_semaphore(%arg13 : memref<!tpu.dma_semaphore, #tpu.memory_space<semaphore_mem>>)
    %add3A_141 = arith.constant 1048576 : i32
    %add3A_142 = arith.addi %add3A_141, %mul3A_2 : i32
    %add3A_143 = arith.constant 2048 : i32
    %add3A_144 = arith.addi %add3A_142, %add3A_143 : i32
    %dma_start3A_145 = arith.constant 18432 : i32
    %dma_start3A_146 = tpu.memref_slice %arg10[%dma_start3A_145] : memref<20480xi32, #tpu.memory_space<vmem>> -> memref<2048xi32, #tpu.memory_space<vmem>>
    %dma_start3A_147 = tpu.memref_slice %arg7[%add3A_144] : memref<1310720xi32, #tpu.memory_space<hbm>> -> memref<2048xi32, #tpu.memory_space<hbm>>
    %dma_start3A_148 = arith.constant 18432 : i32
    %dma_start3A_149 = tpu.memref_slice %arg10[%dma_start3A_148] : memref<20480xi32, #tpu.memory_space<vmem>> -> memref<2048xi32, #tpu.memory_space<vmem>>
    %dma_start3A_150 = tpu.memref_slice %arg7[%add3A_144] : memref<1310720xi32, #tpu.memory_space<hbm>> -> memref<2048xi32, #tpu.memory_space<hbm>>
    tpu.enqueue_dma source(%dma_start3A_150 : memref<2048xi32, #tpu.memory_space<hbm>>) target(%dma_start3A_149 : memref<2048xi32, #tpu.memory_space<vmem>>) target_semaphore(%arg13 : memref<!tpu.dma_semaphore, #tpu.memory_space<semaphore_mem>>)
    %parallel_loop3A = arith.constant 0 : i32
    %parallel_loop3A_151 = arith.constant 2048 : i32
    %parallel_loop3A_152 = arith.constant 16 : i32
    scf.for %parallel_loop3A_468 = %parallel_loop3A to %parallel_loop3A_151 step %parallel_loop3A_152  : i32 {
      %parallel_loop3A_469 = arith.constant 0 : i32
      %parallel_loop3A_470 = arith.addi %parallel_loop3A_469, %parallel_loop3A_468 : i32
      %parallel_loop3A_471 = arith.index_cast %parallel_loop3A_470 : i32 to index
      %parallel_loop3A_472 = tpu.vector_load %arg10[%parallel_loop3A_471] {strides = array<i32>} : memref<20480xi32, #tpu.memory_space<vmem>>, vector<16xi32>,
      %parallel_loop3A_473 = tpu.vector_load_idx %arg9[%parallel_loop3A_472] : memref<81920xf32, #tpu.memory_space<vmem>>[vector<16xi32>], vector<16xf32>,
      %parallel_loop3A_474 = arith.constant 2048 : i32
      %parallel_loop3A_475 = arith.addi %parallel_loop3A_474, %parallel_loop3A_468 : i32
      %parallel_loop3A_476 = arith.index_cast %parallel_loop3A_475 : i32 to index
      %parallel_loop3A_477 = tpu.vector_load %arg10[%parallel_loop3A_476] {strides = array<i32>} : memref<20480xi32, #tpu.memory_space<vmem>>, vector<16xi32>,
      %parallel_loop3A_478 = arith.constant 16384 : i32
      %parallel_loop3A_479 = vector.broadcast %parallel_loop3A_478 : i32 to vector<16xi32>
      %parallel_loop3A_480 = arith.addi %parallel_loop3A_477, %parallel_loop3A_479 : vector<16xi32>
      %parallel_loop3A_481 = tpu.vector_load_idx %arg9[%parallel_loop3A_480] : memref<81920xf32, #tpu.memory_space<vmem>>[vector<16xi32>], vector<16xf32>,
      %parallel_loop3A_482 = arith.addf %parallel_loop3A_473, %parallel_loop3A_481 : vector<16xf32>
      %parallel_loop3A_483 = arith.constant 4096 : i32
      %parallel_loop3A_484 = arith.addi %parallel_loop3A_483, %parallel_loop3A_468 : i32
      %parallel_loop3A_485 = arith.index_cast %parallel_loop3A_484 : i32 to index
      %parallel_loop3A_486 = tpu.vector_load %arg10[%parallel_loop3A_485] {strides = array<i32>} : memref<20480xi32, #tpu.memory_space<vmem>>, vector<16xi32>,
      %parallel_loop3A_487 = arith.constant 32768 : i32
      %parallel_loop3A_488 = vector.broadcast %parallel_loop3A_487 : i32 to vector<16xi32>
      %parallel_loop3A_489 = arith.addi %parallel_loop3A_486, %parallel_loop3A_488 : vector<16xi32>
      %parallel_loop3A_490 = tpu.vector_load_idx %arg9[%parallel_loop3A_489] : memref<81920xf32, #tpu.memory_space<vmem>>[vector<16xi32>], vector<16xf32>,
      %parallel_loop3A_491 = arith.addf %parallel_loop3A_482, %parallel_loop3A_490 : vector<16xf32>
      %parallel_loop3A_492 = arith.constant 6144 : i32
      %parallel_loop3A_493 = arith.addi %parallel_loop3A_492, %parallel_loop3A_468 : i32
      %parallel_loop3A_494 = arith.index_cast %parallel_loop3A_493 : i32 to index
      %parallel_loop3A_495 = tpu.vector_load %arg10[%parallel_loop3A_494] {strides = array<i32>} : memref<20480xi32, #tpu.memory_space<vmem>>, vector<16xi32>,
      %parallel_loop3A_496 = arith.constant 49152 : i32
      %parallel_loop3A_497 = vector.broadcast %parallel_loop3A_496 : i32 to vector<16xi32>
      %parallel_loop3A_498 = arith.addi %parallel_loop3A_495, %parallel_loop3A_497 : vector<16xi32>
      %parallel_loop3A_499 = tpu.vector_load_idx %arg9[%parallel_loop3A_498] : memref<81920xf32, #tpu.memory_space<vmem>>[vector<16xi32>], vector<16xf32>,
      %parallel_loop3A_500 = arith.addf %parallel_loop3A_491, %parallel_loop3A_499 : vector<16xf32>
      %parallel_loop3A_501 = arith.constant 8192 : i32
      %parallel_loop3A_502 = arith.addi %parallel_loop3A_501, %parallel_loop3A_468 : i32
      %parallel_loop3A_503 = arith.index_cast %parallel_loop3A_502 : i32 to index
      %parallel_loop3A_504 = tpu.vector_load %arg10[%parallel_loop3A_503] {strides = array<i32>} : memref<20480xi32, #tpu.memory_space<vmem>>, vector<16xi32>,
      %parallel_loop3A_505 = arith.constant 65536 : i32
      %parallel_loop3A_506 = vector.broadcast %parallel_loop3A_505 : i32 to vector<16xi32>
      %parallel_loop3A_507 = arith.addi %parallel_loop3A_504, %parallel_loop3A_506 : vector<16xi32>
      %parallel_loop3A_508 = tpu.vector_load_idx %arg9[%parallel_loop3A_507] : memref<81920xf32, #tpu.memory_space<vmem>>[vector<16xi32>], vector<16xf32>,
      %parallel_loop3A_509 = arith.addf %parallel_loop3A_500, %parallel_loop3A_508 : vector<16xf32>
      %parallel_loop3A_510 = arith.constant 2.000000e-01 : f32
      %parallel_loop3A_511 = vector.broadcast %parallel_loop3A_510 : f32 to vector<16xf32>
      %parallel_loop3A_512 = arith.mulf %parallel_loop3A_509, %parallel_loop3A_511 : vector<16xf32>
      %parallel_loop3A_513 = arith.cmpf one, %parallel_loop3A_512, %parallel_loop3A_512 : vector<16xf32>
      %parallel_loop3A_514 = arith.constant 0.000000e+00 : f32
      %parallel_loop3A_515 = vector.broadcast %parallel_loop3A_514 : f32 to vector<16xf32>
      %parallel_loop3A_516 = arith.select %parallel_loop3A_513, %parallel_loop3A_515, %parallel_loop3A_512 : vector<16xi1>, vector<16xf32>
      %parallel_loop3A_517 = arith.constant -3.40282347E+38 : f32
      %parallel_loop3A_518 = arith.constant 3.40282347E+38 : f32
      %parallel_loop3A_519 = vector.broadcast %parallel_loop3A_517 : f32 to vector<16xf32>
      %parallel_loop3A_520 = arith.maximumf %parallel_loop3A_519, %parallel_loop3A_516 : vector<16xf32>
      %parallel_loop3A_521 = vector.broadcast %parallel_loop3A_518 : f32 to vector<16xf32>
      %parallel_loop3A_522 = arith.minimumf %parallel_loop3A_521, %parallel_loop3A_520 : vector<16xf32>
      %parallel_loop3A_523 = arith.constant 0 : i32
      %parallel_loop3A_524 = arith.addi %parallel_loop3A_523, %parallel_loop3A_468 : i32
      %parallel_loop3A_525 = arith.index_cast %parallel_loop3A_524 : i32 to index
      %parallel_loop3A_526 = tpu.vector_load %arg11[%parallel_loop3A_525] {strides = array<i32>} : memref<4096xf32, #tpu.memory_space<vmem>>, vector<16xf32>,
      tpu.vector_store %arg11[%parallel_loop3A_525], %parallel_loop3A_522 {strides = array<i32>} : memref<4096xf32, #tpu.memory_space<vmem>>, vector<16xf32>,
    } {sc.loop_unroll_factor = 3 : i64, sc.parallel_access}
    %add3A_153 = arith.constant 0 : i32
    %add3A_154 = arith.addi %mul3A_2, %add3A_153 : i32
    %dma_start3A_155 = arith.constant 0 : i32
    %dma_start3A_156 = tpu.memref_slice %arg11[%dma_start3A_155] : memref<4096xf32, #tpu.memory_space<vmem>> -> memref<2048xf32, #tpu.memory_space<vmem>>
    %dma_start3A_157 = tpu.memref_slice %arg8[%add3A_154] : memref<262144xf32, #tpu.memory_space<hbm>> -> memref<2048xf32, #tpu.memory_space<hbm>>
    %dma_start3A_158 = tpu.memref_slice %arg8[%add3A_154] : memref<262144xf32, #tpu.memory_space<hbm>> -> memref<2048xf32, #tpu.memory_space<hbm>>
    %dma_start3A_159 = arith.constant 0 : i32
    %dma_start3A_160 = tpu.memref_slice %arg11[%dma_start3A_159] : memref<4096xf32, #tpu.memory_space<vmem>> -> memref<2048xf32, #tpu.memory_space<vmem>>
    tpu.enqueue_dma source(%dma_start3A_160 : memref<2048xf32, #tpu.memory_space<vmem>>) target(%dma_start3A_158 : memref<2048xf32, #tpu.memory_space<hbm>>) target_semaphore(%arg14 : memref<!tpu.dma_semaphore, #tpu.memory_space<semaphore_mem>>)
    %add3A_161 = arith.constant 0 : i32
    %add3A_162 = arith.addi %add3A_161, %mul3A_2 : i32
    %add3A_163 = arith.constant 2048 : i32
    %add3A_164 = arith.addi %add3A_162, %add3A_163 : i32
    %dma_wait3A_165 = arith.constant 10240 : i32
    %dma_wait3A_166 = tpu.memref_slice %arg10[%dma_wait3A_165] : memref<20480xi32, #tpu.memory_space<vmem>> -> memref<2048xi32, #tpu.memory_space<vmem>>
    %dma_wait3A_167 = tpu.memref_slice %arg7[%add3A_164] : memref<1310720xi32, #tpu.memory_space<hbm>> -> memref<2048xi32, #tpu.memory_space<hbm>>
    %dma_wait3A_168 = arith.constant 10240 : i32
    %dma_wait3A_169 = tpu.memref_slice %arg10[%dma_wait3A_168] : memref<20480xi32, #tpu.memory_space<vmem>> -> memref<2048xi32, #tpu.memory_space<vmem>>
    %dma_wait3A_170 = tpu.memref_slice %arg7[%add3A_164] : memref<1310720xi32, #tpu.memory_space<hbm>> -> memref<2048xi32, #tpu.memory_space<hbm>>
    tpu.wait_dma2 semaphore(%arg13 : memref<!tpu.dma_semaphore, #tpu.memory_space<semaphore_mem>>) src(%dma_wait3A_170 : memref<2048xi32, #tpu.memory_space<hbm>>) dst(%dma_wait3A_169 : memref<2048xi32, #tpu.memory_space<vmem>>)
    %add3A_171 = arith.constant 262144 : i32
    %add3A_172 = arith.addi %add3A_171, %mul3A_2 : i32
    %add3A_173 = arith.constant 2048 : i32
    %add3A_174 = arith.addi %add3A_172, %add3A_173 : i32
    %dma_wait3A_175 = arith.constant 12288 : i32
    %dma_wait3A_176 = tpu.memref_slice %arg10[%dma_wait3A_175] : memref<20480xi32, #tpu.memory_space<vmem>> -> memref<2048xi32, #tpu.memory_space<vmem>>
    %dma_wait3A_177 = tpu.memref_slice %arg7[%add3A_174] : memref<1310720xi32, #tpu.memory_space<hbm>> -> memref<2048xi32, #tpu.memory_space<hbm>>
    %dma_wait3A_178 = arith.constant 12288 : i32
    %dma_wait3A_179 = tpu.memref_slice %arg10[%dma_wait3A_178] : memref<20480xi32, #tpu.memory_space<vmem>> -> memref<2048xi32, #tpu.memory_space<vmem>>
    %dma_wait3A_180 = tpu.memref_slice %arg7[%add3A_174] : memref<1310720xi32, #tpu.memory_space<hbm>> -> memref<2048xi32, #tpu.memory_space<hbm>>
    tpu.wait_dma2 semaphore(%arg13 : memref<!tpu.dma_semaphore, #tpu.memory_space<semaphore_mem>>) src(%dma_wait3A_180 : memref<2048xi32, #tpu.memory_space<hbm>>) dst(%dma_wait3A_179 : memref<2048xi32, #tpu.memory_space<vmem>>)
    %add3A_181 = arith.constant 524288 : i32
    %add3A_182 = arith.addi %add3A_181, %mul3A_2 : i32
    %add3A_183 = arith.constant 2048 : i32
    %add3A_184 = arith.addi %add3A_182, %add3A_183 : i32
    %dma_wait3A_185 = arith.constant 14336 : i32
    %dma_wait3A_186 = tpu.memref_slice %arg10[%dma_wait3A_185] : memref<20480xi32, #tpu.memory_space<vmem>> -> memref<2048xi32, #tpu.memory_space<vmem>>
    %dma_wait3A_187 = tpu.memref_slice %arg7[%add3A_184] : memref<1310720xi32, #tpu.memory_space<hbm>> -> memref<2048xi32, #tpu.memory_space<hbm>>
    %dma_wait3A_188 = arith.constant 14336 : i32
    %dma_wait3A_189 = tpu.memref_slice %arg10[%dma_wait3A_188] : memref<20480xi32, #tpu.memory_space<vmem>> -> memref<2048xi32, #tpu.memory_space<vmem>>
    %dma_wait3A_190 = tpu.memref_slice %arg7[%add3A_184] : memref<1310720xi32, #tpu.memory_space<hbm>> -> memref<2048xi32, #tpu.memory_space<hbm>>
    tpu.wait_dma2 semaphore(%arg13 : memref<!tpu.dma_semaphore, #tpu.memory_space<semaphore_mem>>) src(%dma_wait3A_190 : memref<2048xi32, #tpu.memory_space<hbm>>) dst(%dma_wait3A_189 : memref<2048xi32, #tpu.memory_space<vmem>>)
    %add3A_191 = arith.constant 786432 : i32
    %add3A_192 = arith.addi %add3A_191, %mul3A_2 : i32
    %add3A_193 = arith.constant 2048 : i32
    %add3A_194 = arith.addi %add3A_192, %add3A_193 : i32
    %dma_wait3A_195 = arith.constant 16384 : i32
    %dma_wait3A_196 = tpu.memref_slice %arg10[%dma_wait3A_195] : memref<20480xi32, #tpu.memory_space<vmem>> -> memref<2048xi32, #tpu.memory_space<vmem>>
    %dma_wait3A_197 = tpu.memref_slice %arg7[%add3A_194] : memref<1310720xi32, #tpu.memory_space<hbm>> -> memref<2048xi32, #tpu.memory_space<hbm>>
    %dma_wait3A_198 = arith.constant 16384 : i32
    %dma_wait3A_199 = tpu.memref_slice %arg10[%dma_wait3A_198] : memref<20480xi32, #tpu.memory_space<vmem>> -> memref<2048xi32, #tpu.memory_space<vmem>>
    %dma_wait3A_200 = tpu.memref_slice %arg7[%add3A_194] : memref<1310720xi32, #tpu.memory_space<hbm>> -> memref<2048xi32, #tpu.memory_space<hbm>>
    tpu.wait_dma2 semaphore(%arg13 : memref<!tpu.dma_semaphore, #tpu.memory_space<semaphore_mem>>) src(%dma_wait3A_200 : memref<2048xi32, #tpu.memory_space<hbm>>) dst(%dma_wait3A_199 : memref<2048xi32, #tpu.memory_space<vmem>>)
    %add3A_201 = arith.constant 1048576 : i32
    %add3A_202 = arith.addi %add3A_201, %mul3A_2 : i32
    %add3A_203 = arith.constant 2048 : i32
    %add3A_204 = arith.addi %add3A_202, %add3A_203 : i32
    %dma_wait3A_205 = arith.constant 18432 : i32
    %dma_wait3A_206 = tpu.memref_slice %arg10[%dma_wait3A_205] : memref<20480xi32, #tpu.memory_space<vmem>> -> memref<2048xi32, #tpu.memory_space<vmem>>
    %dma_wait3A_207 = tpu.memref_slice %arg7[%add3A_204] : memref<1310720xi32, #tpu.memory_space<hbm>> -> memref<2048xi32, #tpu.memory_space<hbm>>
    %dma_wait3A_208 = arith.constant 18432 : i32
    %dma_wait3A_209 = tpu.memref_slice %arg10[%dma_wait3A_208] : memref<20480xi32, #tpu.memory_space<vmem>> -> memref<2048xi32, #tpu.memory_space<vmem>>
    %dma_wait3A_210 = tpu.memref_slice %arg7[%add3A_204] : memref<1310720xi32, #tpu.memory_space<hbm>> -> memref<2048xi32, #tpu.memory_space<hbm>>
    tpu.wait_dma2 semaphore(%arg13 : memref<!tpu.dma_semaphore, #tpu.memory_space<semaphore_mem>>) src(%dma_wait3A_210 : memref<2048xi32, #tpu.memory_space<hbm>>) dst(%dma_wait3A_209 : memref<2048xi32, #tpu.memory_space<vmem>>)
    %add3A_211 = arith.constant 0 : i32
    %add3A_212 = arith.addi %add3A_211, %mul3A_2 : i32
    %add3A_213 = arith.constant 4096 : i32
    %add3A_214 = arith.addi %add3A_212, %add3A_213 : i32
    %dma_start3A_215 = arith.constant 0 : i32
    %dma_start3A_216 = tpu.memref_slice %arg10[%dma_start3A_215] : memref<20480xi32, #tpu.memory_space<vmem>> -> memref<2048xi32, #tpu.memory_space<vmem>>
    %dma_start3A_217 = tpu.memref_slice %arg7[%add3A_214] : memref<1310720xi32, #tpu.memory_space<hbm>> -> memref<2048xi32, #tpu.memory_space<hbm>>
    %dma_start3A_218 = arith.constant 0 : i32
    %dma_start3A_219 = tpu.memref_slice %arg10[%dma_start3A_218] : memref<20480xi32, #tpu.memory_space<vmem>> -> memref<2048xi32, #tpu.memory_space<vmem>>
    %dma_start3A_220 = tpu.memref_slice %arg7[%add3A_214] : memref<1310720xi32, #tpu.memory_space<hbm>> -> memref<2048xi32, #tpu.memory_space<hbm>>
    tpu.enqueue_dma source(%dma_start3A_220 : memref<2048xi32, #tpu.memory_space<hbm>>) target(%dma_start3A_219 : memref<2048xi32, #tpu.memory_space<vmem>>) target_semaphore(%arg12 : memref<!tpu.dma_semaphore, #tpu.memory_space<semaphore_mem>>)
    %add3A_221 = arith.constant 262144 : i32
    %add3A_222 = arith.addi %add3A_221, %mul3A_2 : i32
    %add3A_223 = arith.constant 4096 : i32
    %add3A_224 = arith.addi %add3A_222, %add3A_223 : i32
    %dma_start3A_225 = arith.constant 2048 : i32
    %dma_start3A_226 = tpu.memref_slice %arg10[%dma_start3A_225] : memref<20480xi32, #tpu.memory_space<vmem>> -> memref<2048xi32, #tpu.memory_space<vmem>>
    %dma_start3A_227 = tpu.memref_slice %arg7[%add3A_224] : memref<1310720xi32, #tpu.memory_space<hbm>> -> memref<2048xi32, #tpu.memory_space<hbm>>
    %dma_start3A_228 = arith.constant 2048 : i32
    %dma_start3A_229 = tpu.memref_slice %arg10[%dma_start3A_228] : memref<20480xi32, #tpu.memory_space<vmem>> -> memref<2048xi32, #tpu.memory_space<vmem>>
    %dma_start3A_230 = tpu.memref_slice %arg7[%add3A_224] : memref<1310720xi32, #tpu.memory_space<hbm>> -> memref<2048xi32, #tpu.memory_space<hbm>>
    tpu.enqueue_dma source(%dma_start3A_230 : memref<2048xi32, #tpu.memory_space<hbm>>) target(%dma_start3A_229 : memref<2048xi32, #tpu.memory_space<vmem>>) target_semaphore(%arg12 : memref<!tpu.dma_semaphore, #tpu.memory_space<semaphore_mem>>)
    %add3A_231 = arith.constant 524288 : i32
    %add3A_232 = arith.addi %add3A_231, %mul3A_2 : i32
    %add3A_233 = arith.constant 4096 : i32
    %add3A_234 = arith.addi %add3A_232, %add3A_233 : i32
    %dma_start3A_235 = arith.constant 4096 : i32
    %dma_start3A_236 = tpu.memref_slice %arg10[%dma_start3A_235] : memref<20480xi32, #tpu.memory_space<vmem>> -> memref<2048xi32, #tpu.memory_space<vmem>>
    %dma_start3A_237 = tpu.memref_slice %arg7[%add3A_234] : memref<1310720xi32, #tpu.memory_space<hbm>> -> memref<2048xi32, #tpu.memory_space<hbm>>
    %dma_start3A_238 = arith.constant 4096 : i32
    %dma_start3A_239 = tpu.memref_slice %arg10[%dma_start3A_238] : memref<20480xi32, #tpu.memory_space<vmem>> -> memref<2048xi32, #tpu.memory_space<vmem>>
    %dma_start3A_240 = tpu.memref_slice %arg7[%add3A_234] : memref<1310720xi32, #tpu.memory_space<hbm>> -> memref<2048xi32, #tpu.memory_space<hbm>>
    tpu.enqueue_dma source(%dma_start3A_240 : memref<2048xi32, #tpu.memory_space<hbm>>) target(%dma_start3A_239 : memref<2048xi32, #tpu.memory_space<vmem>>) target_semaphore(%arg12 : memref<!tpu.dma_semaphore, #tpu.memory_space<semaphore_mem>>)
    %add3A_241 = arith.constant 786432 : i32
    %add3A_242 = arith.addi %add3A_241, %mul3A_2 : i32
    %add3A_243 = arith.constant 4096 : i32
    %add3A_244 = arith.addi %add3A_242, %add3A_243 : i32
    %dma_start3A_245 = arith.constant 6144 : i32
    %dma_start3A_246 = tpu.memref_slice %arg10[%dma_start3A_245] : memref<20480xi32, #tpu.memory_space<vmem>> -> memref<2048xi32, #tpu.memory_space<vmem>>
    %dma_start3A_247 = tpu.memref_slice %arg7[%add3A_244] : memref<1310720xi32, #tpu.memory_space<hbm>> -> memref<2048xi32, #tpu.memory_space<hbm>>
    %dma_start3A_248 = arith.constant 6144 : i32
    %dma_start3A_249 = tpu.memref_slice %arg10[%dma_start3A_248] : memref<20480xi32, #tpu.memory_space<vmem>> -> memref<2048xi32, #tpu.memory_space<vmem>>
    %dma_start3A_250 = tpu.memref_slice %arg7[%add3A_244] : memref<1310720xi32, #tpu.memory_space<hbm>> -> memref<2048xi32, #tpu.memory_space<hbm>>
    tpu.enqueue_dma source(%dma_start3A_250 : memref<2048xi32, #tpu.memory_space<hbm>>) target(%dma_start3A_249 : memref<2048xi32, #tpu.memory_space<vmem>>) target_semaphore(%arg12 : memref<!tpu.dma_semaphore, #tpu.memory_space<semaphore_mem>>)
    %add3A_251 = arith.constant 1048576 : i32
    %add3A_252 = arith.addi %add3A_251, %mul3A_2 : i32
    %add3A_253 = arith.constant 4096 : i32
    %add3A_254 = arith.addi %add3A_252, %add3A_253 : i32
    %dma_start3A_255 = arith.constant 8192 : i32
    %dma_start3A_256 = tpu.memref_slice %arg10[%dma_start3A_255] : memref<20480xi32, #tpu.memory_space<vmem>> -> memref<2048xi32, #tpu.memory_space<vmem>>
    %dma_start3A_257 = tpu.memref_slice %arg7[%add3A_254] : memref<1310720xi32, #tpu.memory_space<hbm>> -> memref<2048xi32, #tpu.memory_space<hbm>>
    %dma_start3A_258 = arith.constant 8192 : i32
    %dma_start3A_259 = tpu.memref_slice %arg10[%dma_start3A_258] : memref<20480xi32, #tpu.memory_space<vmem>> -> memref<2048xi32, #tpu.memory_space<vmem>>
    %dma_start3A_260 = tpu.memref_slice %arg7[%add3A_254] : memref<1310720xi32, #tpu.memory_space<hbm>> -> memref<2048xi32, #tpu.memory_space<hbm>>
    tpu.enqueue_dma source(%dma_start3A_260 : memref<2048xi32, #tpu.memory_space<hbm>>) target(%dma_start3A_259 : memref<2048xi32, #tpu.memory_space<vmem>>) target_semaphore(%arg12 : memref<!tpu.dma_semaphore, #tpu.memory_space<semaphore_mem>>)
    %parallel_loop3A_261 = arith.constant 0 : i32
    %parallel_loop3A_262 = arith.constant 2048 : i32
    %parallel_loop3A_263 = arith.constant 16 : i32
    scf.for %parallel_loop3A_468 = %parallel_loop3A_261 to %parallel_loop3A_262 step %parallel_loop3A_263  : i32 {
      %parallel_loop3A_469 = arith.constant 10240 : i32
      %parallel_loop3A_470 = arith.addi %parallel_loop3A_469, %parallel_loop3A_468 : i32
      %parallel_loop3A_471 = arith.index_cast %parallel_loop3A_470 : i32 to index
      %parallel_loop3A_472 = tpu.vector_load %arg10[%parallel_loop3A_471] {strides = array<i32>} : memref<20480xi32, #tpu.memory_space<vmem>>, vector<16xi32>,
      %parallel_loop3A_473 = tpu.vector_load_idx %arg9[%parallel_loop3A_472] : memref<81920xf32, #tpu.memory_space<vmem>>[vector<16xi32>], vector<16xf32>,
      %parallel_loop3A_474 = arith.constant 12288 : i32
      %parallel_loop3A_475 = arith.addi %parallel_loop3A_474, %parallel_loop3A_468 : i32
      %parallel_loop3A_476 = arith.index_cast %parallel_loop3A_475 : i32 to index
      %parallel_loop3A_477 = tpu.vector_load %arg10[%parallel_loop3A_476] {strides = array<i32>} : memref<20480xi32, #tpu.memory_space<vmem>>, vector<16xi32>,
      %parallel_loop3A_478 = arith.constant 16384 : i32
      %parallel_loop3A_479 = vector.broadcast %parallel_loop3A_478 : i32 to vector<16xi32>
      %parallel_loop3A_480 = arith.addi %parallel_loop3A_477, %parallel_loop3A_479 : vector<16xi32>
      %parallel_loop3A_481 = tpu.vector_load_idx %arg9[%parallel_loop3A_480] : memref<81920xf32, #tpu.memory_space<vmem>>[vector<16xi32>], vector<16xf32>,
      %parallel_loop3A_482 = arith.addf %parallel_loop3A_473, %parallel_loop3A_481 : vector<16xf32>
      %parallel_loop3A_483 = arith.constant 14336 : i32
      %parallel_loop3A_484 = arith.addi %parallel_loop3A_483, %parallel_loop3A_468 : i32
      %parallel_loop3A_485 = arith.index_cast %parallel_loop3A_484 : i32 to index
      %parallel_loop3A_486 = tpu.vector_load %arg10[%parallel_loop3A_485] {strides = array<i32>} : memref<20480xi32, #tpu.memory_space<vmem>>, vector<16xi32>,
      %parallel_loop3A_487 = arith.constant 32768 : i32
      %parallel_loop3A_488 = vector.broadcast %parallel_loop3A_487 : i32 to vector<16xi32>
      %parallel_loop3A_489 = arith.addi %parallel_loop3A_486, %parallel_loop3A_488 : vector<16xi32>
      %parallel_loop3A_490 = tpu.vector_load_idx %arg9[%parallel_loop3A_489] : memref<81920xf32, #tpu.memory_space<vmem>>[vector<16xi32>], vector<16xf32>,
      %parallel_loop3A_491 = arith.addf %parallel_loop3A_482, %parallel_loop3A_490 : vector<16xf32>
      %parallel_loop3A_492 = arith.constant 16384 : i32
      %parallel_loop3A_493 = arith.addi %parallel_loop3A_492, %parallel_loop3A_468 : i32
      %parallel_loop3A_494 = arith.index_cast %parallel_loop3A_493 : i32 to index
      %parallel_loop3A_495 = tpu.vector_load %arg10[%parallel_loop3A_494] {strides = array<i32>} : memref<20480xi32, #tpu.memory_space<vmem>>, vector<16xi32>,
      %parallel_loop3A_496 = arith.constant 49152 : i32
      %parallel_loop3A_497 = vector.broadcast %parallel_loop3A_496 : i32 to vector<16xi32>
      %parallel_loop3A_498 = arith.addi %parallel_loop3A_495, %parallel_loop3A_497 : vector<16xi32>
      %parallel_loop3A_499 = tpu.vector_load_idx %arg9[%parallel_loop3A_498] : memref<81920xf32, #tpu.memory_space<vmem>>[vector<16xi32>], vector<16xf32>,
      %parallel_loop3A_500 = arith.addf %parallel_loop3A_491, %parallel_loop3A_499 : vector<16xf32>
      %parallel_loop3A_501 = arith.constant 18432 : i32
      %parallel_loop3A_502 = arith.addi %parallel_loop3A_501, %parallel_loop3A_468 : i32
      %parallel_loop3A_503 = arith.index_cast %parallel_loop3A_502 : i32 to index
      %parallel_loop3A_504 = tpu.vector_load %arg10[%parallel_loop3A_503] {strides = array<i32>} : memref<20480xi32, #tpu.memory_space<vmem>>, vector<16xi32>,
      %parallel_loop3A_505 = arith.constant 65536 : i32
      %parallel_loop3A_506 = vector.broadcast %parallel_loop3A_505 : i32 to vector<16xi32>
      %parallel_loop3A_507 = arith.addi %parallel_loop3A_504, %parallel_loop3A_506 : vector<16xi32>
      %parallel_loop3A_508 = tpu.vector_load_idx %arg9[%parallel_loop3A_507] : memref<81920xf32, #tpu.memory_space<vmem>>[vector<16xi32>], vector<16xf32>,
      %parallel_loop3A_509 = arith.addf %parallel_loop3A_500, %parallel_loop3A_508 : vector<16xf32>
      %parallel_loop3A_510 = arith.constant 2.000000e-01 : f32
      %parallel_loop3A_511 = vector.broadcast %parallel_loop3A_510 : f32 to vector<16xf32>
      %parallel_loop3A_512 = arith.mulf %parallel_loop3A_509, %parallel_loop3A_511 : vector<16xf32>
      %parallel_loop3A_513 = arith.cmpf one, %parallel_loop3A_512, %parallel_loop3A_512 : vector<16xf32>
      %parallel_loop3A_514 = arith.constant 0.000000e+00 : f32
      %parallel_loop3A_515 = vector.broadcast %parallel_loop3A_514 : f32 to vector<16xf32>
      %parallel_loop3A_516 = arith.select %parallel_loop3A_513, %parallel_loop3A_515, %parallel_loop3A_512 : vector<16xi1>, vector<16xf32>
      %parallel_loop3A_517 = arith.constant -3.40282347E+38 : f32
      %parallel_loop3A_518 = arith.constant 3.40282347E+38 : f32
      %parallel_loop3A_519 = vector.broadcast %parallel_loop3A_517 : f32 to vector<16xf32>
      %parallel_loop3A_520 = arith.maximumf %parallel_loop3A_519, %parallel_loop3A_516 : vector<16xf32>
      %parallel_loop3A_521 = vector.broadcast %parallel_loop3A_518 : f32 to vector<16xf32>
      %parallel_loop3A_522 = arith.minimumf %parallel_loop3A_521, %parallel_loop3A_520 : vector<16xf32>
      %parallel_loop3A_523 = arith.constant 2048 : i32
      %parallel_loop3A_524 = arith.addi %parallel_loop3A_523, %parallel_loop3A_468 : i32
      %parallel_loop3A_525 = arith.index_cast %parallel_loop3A_524 : i32 to index
      %parallel_loop3A_526 = tpu.vector_load %arg11[%parallel_loop3A_525] {strides = array<i32>} : memref<4096xf32, #tpu.memory_space<vmem>>, vector<16xf32>,
      tpu.vector_store %arg11[%parallel_loop3A_525], %parallel_loop3A_522 {strides = array<i32>} : memref<4096xf32, #tpu.memory_space<vmem>>, vector<16xf32>,
    } {sc.loop_unroll_factor = 3 : i64, sc.parallel_access}
    %add3A_264 = arith.constant 2048 : i32
    %add3A_265 = arith.addi %mul3A_2, %add3A_264 : i32
    %dma_start3A_266 = arith.constant 2048 : i32
    %dma_start3A_267 = tpu.memref_slice %arg11[%dma_start3A_266] : memref<4096xf32, #tpu.memory_space<vmem>> -> memref<2048xf32, #tpu.memory_space<vmem>>
    %dma_start3A_268 = tpu.memref_slice %arg8[%add3A_265] : memref<262144xf32, #tpu.memory_space<hbm>> -> memref<2048xf32, #tpu.memory_space<hbm>>
    %dma_start3A_269 = tpu.memref_slice %arg8[%add3A_265] : memref<262144xf32, #tpu.memory_space<hbm>> -> memref<2048xf32, #tpu.memory_space<hbm>>
    %dma_start3A_270 = arith.constant 2048 : i32
    %dma_start3A_271 = tpu.memref_slice %arg11[%dma_start3A_270] : memref<4096xf32, #tpu.memory_space<vmem>> -> memref<2048xf32, #tpu.memory_space<vmem>>
    tpu.enqueue_dma source(%dma_start3A_271 : memref<2048xf32, #tpu.memory_space<vmem>>) target(%dma_start3A_269 : memref<2048xf32, #tpu.memory_space<hbm>>) target_semaphore(%arg15 : memref<!tpu.dma_semaphore, #tpu.memory_space<semaphore_mem>>)
    %add3A_272 = arith.constant 0 : i32
    %add3A_273 = arith.addi %add3A_272, %mul3A_2 : i32
    %add3A_274 = arith.constant 4096 : i32
    %add3A_275 = arith.addi %add3A_273, %add3A_274 : i32
    %dma_wait3A_276 = arith.constant 0 : i32
    %dma_wait3A_277 = tpu.memref_slice %arg10[%dma_wait3A_276] : memref<20480xi32, #tpu.memory_space<vmem>> -> memref<2048xi32, #tpu.memory_space<vmem>>
    %dma_wait3A_278 = tpu.memref_slice %arg7[%add3A_275] : memref<1310720xi32, #tpu.memory_space<hbm>> -> memref<2048xi32, #tpu.memory_space<hbm>>
    %dma_wait3A_279 = arith.constant 0 : i32
    %dma_wait3A_280 = tpu.memref_slice %arg10[%dma_wait3A_279] : memref<20480xi32, #tpu.memory_space<vmem>> -> memref<2048xi32, #tpu.memory_space<vmem>>
    %dma_wait3A_281 = tpu.memref_slice %arg7[%add3A_275] : memref<1310720xi32, #tpu.memory_space<hbm>> -> memref<2048xi32, #tpu.memory_space<hbm>>
    tpu.wait_dma2 semaphore(%arg12 : memref<!tpu.dma_semaphore, #tpu.memory_space<semaphore_mem>>) src(%dma_wait3A_281 : memref<2048xi32, #tpu.memory_space<hbm>>) dst(%dma_wait3A_280 : memref<2048xi32, #tpu.memory_space<vmem>>)
    %add3A_282 = arith.constant 262144 : i32
    %add3A_283 = arith.addi %add3A_282, %mul3A_2 : i32
    %add3A_284 = arith.constant 4096 : i32
    %add3A_285 = arith.addi %add3A_283, %add3A_284 : i32
    %dma_wait3A_286 = arith.constant 2048 : i32
    %dma_wait3A_287 = tpu.memref_slice %arg10[%dma_wait3A_286] : memref<20480xi32, #tpu.memory_space<vmem>> -> memref<2048xi32, #tpu.memory_space<vmem>>
    %dma_wait3A_288 = tpu.memref_slice %arg7[%add3A_285] : memref<1310720xi32, #tpu.memory_space<hbm>> -> memref<2048xi32, #tpu.memory_space<hbm>>
    %dma_wait3A_289 = arith.constant 2048 : i32
    %dma_wait3A_290 = tpu.memref_slice %arg10[%dma_wait3A_289] : memref<20480xi32, #tpu.memory_space<vmem>> -> memref<2048xi32, #tpu.memory_space<vmem>>
    %dma_wait3A_291 = tpu.memref_slice %arg7[%add3A_285] : memref<1310720xi32, #tpu.memory_space<hbm>> -> memref<2048xi32, #tpu.memory_space<hbm>>
    tpu.wait_dma2 semaphore(%arg12 : memref<!tpu.dma_semaphore, #tpu.memory_space<semaphore_mem>>) src(%dma_wait3A_291 : memref<2048xi32, #tpu.memory_space<hbm>>) dst(%dma_wait3A_290 : memref<2048xi32, #tpu.memory_space<vmem>>)
    %add3A_292 = arith.constant 524288 : i32
    %add3A_293 = arith.addi %add3A_292, %mul3A_2 : i32
    %add3A_294 = arith.constant 4096 : i32
    %add3A_295 = arith.addi %add3A_293, %add3A_294 : i32
    %dma_wait3A_296 = arith.constant 4096 : i32
    %dma_wait3A_297 = tpu.memref_slice %arg10[%dma_wait3A_296] : memref<20480xi32, #tpu.memory_space<vmem>> -> memref<2048xi32, #tpu.memory_space<vmem>>
    %dma_wait3A_298 = tpu.memref_slice %arg7[%add3A_295] : memref<1310720xi32, #tpu.memory_space<hbm>> -> memref<2048xi32, #tpu.memory_space<hbm>>
    %dma_wait3A_299 = arith.constant 4096 : i32
    %dma_wait3A_300 = tpu.memref_slice %arg10[%dma_wait3A_299] : memref<20480xi32, #tpu.memory_space<vmem>> -> memref<2048xi32, #tpu.memory_space<vmem>>
    %dma_wait3A_301 = tpu.memref_slice %arg7[%add3A_295] : memref<1310720xi32, #tpu.memory_space<hbm>> -> memref<2048xi32, #tpu.memory_space<hbm>>
    tpu.wait_dma2 semaphore(%arg12 : memref<!tpu.dma_semaphore, #tpu.memory_space<semaphore_mem>>) src(%dma_wait3A_301 : memref<2048xi32, #tpu.memory_space<hbm>>) dst(%dma_wait3A_300 : memref<2048xi32, #tpu.memory_space<vmem>>)
    %add3A_302 = arith.constant 786432 : i32
    %add3A_303 = arith.addi %add3A_302, %mul3A_2 : i32
    %add3A_304 = arith.constant 4096 : i32
    %add3A_305 = arith.addi %add3A_303, %add3A_304 : i32
    %dma_wait3A_306 = arith.constant 6144 : i32
    %dma_wait3A_307 = tpu.memref_slice %arg10[%dma_wait3A_306] : memref<20480xi32, #tpu.memory_space<vmem>> -> memref<2048xi32, #tpu.memory_space<vmem>>
    %dma_wait3A_308 = tpu.memref_slice %arg7[%add3A_305] : memref<1310720xi32, #tpu.memory_space<hbm>> -> memref<2048xi32, #tpu.memory_space<hbm>>
    %dma_wait3A_309 = arith.constant 6144 : i32
    %dma_wait3A_310 = tpu.memref_slice %arg10[%dma_wait3A_309] : memref<20480xi32, #tpu.memory_space<vmem>> -> memref<2048xi32, #tpu.memory_space<vmem>>
    %dma_wait3A_311 = tpu.memref_slice %arg7[%add3A_305] : memref<1310720xi32, #tpu.memory_space<hbm>> -> memref<2048xi32, #tpu.memory_space<hbm>>
    tpu.wait_dma2 semaphore(%arg12 : memref<!tpu.dma_semaphore, #tpu.memory_space<semaphore_mem>>) src(%dma_wait3A_311 : memref<2048xi32, #tpu.memory_space<hbm>>) dst(%dma_wait3A_310 : memref<2048xi32, #tpu.memory_space<vmem>>)
    %add3A_312 = arith.constant 1048576 : i32
    %add3A_313 = arith.addi %add3A_312, %mul3A_2 : i32
    %add3A_314 = arith.constant 4096 : i32
    %add3A_315 = arith.addi %add3A_313, %add3A_314 : i32
    %dma_wait3A_316 = arith.constant 8192 : i32
    %dma_wait3A_317 = tpu.memref_slice %arg10[%dma_wait3A_316] : memref<20480xi32, #tpu.memory_space<vmem>> -> memref<2048xi32, #tpu.memory_space<vmem>>
    %dma_wait3A_318 = tpu.memref_slice %arg7[%add3A_315] : memref<1310720xi32, #tpu.memory_space<hbm>> -> memref<2048xi32, #tpu.memory_space<hbm>>
    %dma_wait3A_319 = arith.constant 8192 : i32
    %dma_wait3A_320 = tpu.memref_slice %arg10[%dma_wait3A_319] : memref<20480xi32, #tpu.memory_space<vmem>> -> memref<2048xi32, #tpu.memory_space<vmem>>
    %dma_wait3A_321 = tpu.memref_slice %arg7[%add3A_315] : memref<1310720xi32, #tpu.memory_space<hbm>> -> memref<2048xi32, #tpu.memory_space<hbm>>
    tpu.wait_dma2 semaphore(%arg12 : memref<!tpu.dma_semaphore, #tpu.memory_space<semaphore_mem>>) src(%dma_wait3A_321 : memref<2048xi32, #tpu.memory_space<hbm>>) dst(%dma_wait3A_320 : memref<2048xi32, #tpu.memory_space<vmem>>)
    %add3A_322 = arith.constant 0 : i32
    %add3A_323 = arith.addi %add3A_322, %mul3A_2 : i32
    %add3A_324 = arith.constant 6144 : i32
    %add3A_325 = arith.addi %add3A_323, %add3A_324 : i32
    %dma_start3A_326 = arith.constant 10240 : i32
    %dma_start3A_327 = tpu.memref_slice %arg10[%dma_start3A_326] : memref<20480xi32, #tpu.memory_space<vmem>> -> memref<2048xi32, #tpu.memory_space<vmem>>
    %dma_start3A_328 = tpu.memref_slice %arg7[%add3A_325] : memref<1310720xi32, #tpu.memory_space<hbm>> -> memref<2048xi32, #tpu.memory_space<hbm>>
    %dma_start3A_329 = arith.constant 10240 : i32
    %dma_start3A_330 = tpu.memref_slice %arg10[%dma_start3A_329] : memref<20480xi32, #tpu.memory_space<vmem>> -> memref<2048xi32, #tpu.memory_space<vmem>>
    %dma_start3A_331 = tpu.memref_slice %arg7[%add3A_325] : memref<1310720xi32, #tpu.memory_space<hbm>> -> memref<2048xi32, #tpu.memory_space<hbm>>
    tpu.enqueue_dma source(%dma_start3A_331 : memref<2048xi32, #tpu.memory_space<hbm>>) target(%dma_start3A_330 : memref<2048xi32, #tpu.memory_space<vmem>>) target_semaphore(%arg13 : memref<!tpu.dma_semaphore, #tpu.memory_space<semaphore_mem>>)
    %add3A_332 = arith.constant 262144 : i32
    %add3A_333 = arith.addi %add3A_332, %mul3A_2 : i32
    %add3A_334 = arith.constant 6144 : i32
    %add3A_335 = arith.addi %add3A_333, %add3A_334 : i32
    %dma_start3A_336 = arith.constant 12288 : i32
    %dma_start3A_337 = tpu.memref_slice %arg10[%dma_start3A_336] : memref<20480xi32, #tpu.memory_space<vmem>> -> memref<2048xi32, #tpu.memory_space<vmem>>
    %dma_start3A_338 = tpu.memref_slice %arg7[%add3A_335] : memref<1310720xi32, #tpu.memory_space<hbm>> -> memref<2048xi32, #tpu.memory_space<hbm>>
    %dma_start3A_339 = arith.constant 12288 : i32
    %dma_start3A_340 = tpu.memref_slice %arg10[%dma_start3A_339] : memref<20480xi32, #tpu.memory_space<vmem>> -> memref<2048xi32, #tpu.memory_space<vmem>>
    %dma_start3A_341 = tpu.memref_slice %arg7[%add3A_335] : memref<1310720xi32, #tpu.memory_space<hbm>> -> memref<2048xi32, #tpu.memory_space<hbm>>
    tpu.enqueue_dma source(%dma_start3A_341 : memref<2048xi32, #tpu.memory_space<hbm>>) target(%dma_start3A_340 : memref<2048xi32, #tpu.memory_space<vmem>>) target_semaphore(%arg13 : memref<!tpu.dma_semaphore, #tpu.memory_space<semaphore_mem>>)
    %add3A_342 = arith.constant 524288 : i32
    %add3A_343 = arith.addi %add3A_342, %mul3A_2 : i32
    %add3A_344 = arith.constant 6144 : i32
    %add3A_345 = arith.addi %add3A_343, %add3A_344 : i32
    %dma_start3A_346 = arith.constant 14336 : i32
    %dma_start3A_347 = tpu.memref_slice %arg10[%dma_start3A_346] : memref<20480xi32, #tpu.memory_space<vmem>> -> memref<2048xi32, #tpu.memory_space<vmem>>
    %dma_start3A_348 = tpu.memref_slice %arg7[%add3A_345] : memref<1310720xi32, #tpu.memory_space<hbm>> -> memref<2048xi32, #tpu.memory_space<hbm>>
    %dma_start3A_349 = arith.constant 14336 : i32
    %dma_start3A_350 = tpu.memref_slice %arg10[%dma_start3A_349] : memref<20480xi32, #tpu.memory_space<vmem>> -> memref<2048xi32, #tpu.memory_space<vmem>>
    %dma_start3A_351 = tpu.memref_slice %arg7[%add3A_345] : memref<1310720xi32, #tpu.memory_space<hbm>> -> memref<2048xi32, #tpu.memory_space<hbm>>
    tpu.enqueue_dma source(%dma_start3A_351 : memref<2048xi32, #tpu.memory_space<hbm>>) target(%dma_start3A_350 : memref<2048xi32, #tpu.memory_space<vmem>>) target_semaphore(%arg13 : memref<!tpu.dma_semaphore, #tpu.memory_space<semaphore_mem>>)
    %add3A_352 = arith.constant 786432 : i32
    %add3A_353 = arith.addi %add3A_352, %mul3A_2 : i32
    %add3A_354 = arith.constant 6144 : i32
    %add3A_355 = arith.addi %add3A_353, %add3A_354 : i32
    %dma_start3A_356 = arith.constant 16384 : i32
    %dma_start3A_357 = tpu.memref_slice %arg10[%dma_start3A_356] : memref<20480xi32, #tpu.memory_space<vmem>> -> memref<2048xi32, #tpu.memory_space<vmem>>
    %dma_start3A_358 = tpu.memref_slice %arg7[%add3A_355] : memref<1310720xi32, #tpu.memory_space<hbm>> -> memref<2048xi32, #tpu.memory_space<hbm>>
    %dma_start3A_359 = arith.constant 16384 : i32
    %dma_start3A_360 = tpu.memref_slice %arg10[%dma_start3A_359] : memref<20480xi32, #tpu.memory_space<vmem>> -> memref<2048xi32, #tpu.memory_space<vmem>>
    %dma_start3A_361 = tpu.memref_slice %arg7[%add3A_355] : memref<1310720xi32, #tpu.memory_space<hbm>> -> memref<2048xi32, #tpu.memory_space<hbm>>
    tpu.enqueue_dma source(%dma_start3A_361 : memref<2048xi32, #tpu.memory_space<hbm>>) target(%dma_start3A_360 : memref<2048xi32, #tpu.memory_space<vmem>>) target_semaphore(%arg13 : memref<!tpu.dma_semaphore, #tpu.memory_space<semaphore_mem>>)
    %add3A_362 = arith.constant 1048576 : i32
    %add3A_363 = arith.addi %add3A_362, %mul3A_2 : i32
    %add3A_364 = arith.constant 6144 : i32
    %add3A_365 = arith.addi %add3A_363, %add3A_364 : i32
    %dma_start3A_366 = arith.constant 18432 : i32
    %dma_start3A_367 = tpu.memref_slice %arg10[%dma_start3A_366] : memref<20480xi32, #tpu.memory_space<vmem>> -> memref<2048xi32, #tpu.memory_space<vmem>>
    %dma_start3A_368 = tpu.memref_slice %arg7[%add3A_365] : memref<1310720xi32, #tpu.memory_space<hbm>> -> memref<2048xi32, #tpu.memory_space<hbm>>
    %dma_start3A_369 = arith.constant 18432 : i32
    %dma_start3A_370 = tpu.memref_slice %arg10[%dma_start3A_369] : memref<20480xi32, #tpu.memory_space<vmem>> -> memref<2048xi32, #tpu.memory_space<vmem>>
    %dma_start3A_371 = tpu.memref_slice %arg7[%add3A_365] : memref<1310720xi32, #tpu.memory_space<hbm>> -> memref<2048xi32, #tpu.memory_space<hbm>>
    tpu.enqueue_dma source(%dma_start3A_371 : memref<2048xi32, #tpu.memory_space<hbm>>) target(%dma_start3A_370 : memref<2048xi32, #tpu.memory_space<vmem>>) target_semaphore(%arg13 : memref<!tpu.dma_semaphore, #tpu.memory_space<semaphore_mem>>)
    %dma_wait3A_372 = arith.constant 0 : i32
    %dma_wait3A_373 = tpu.memref_slice %arg11[%dma_wait3A_372] : memref<4096xf32, #tpu.memory_space<vmem>> -> memref<2048xf32, #tpu.memory_space<vmem>>
    %dma_wait3A_374 = tpu.memref_slice %arg8[%add3A_154] : memref<262144xf32, #tpu.memory_space<hbm>> -> memref<2048xf32, #tpu.memory_space<hbm>>
    %dma_wait3A_375 = tpu.memref_slice %arg8[%add3A_154] : memref<262144xf32, #tpu.memory_space<hbm>> -> memref<2048xf32, #tpu.memory_space<hbm>>
    %dma_wait3A_376 = arith.constant 0 : i32
    %dma_wait3A_377 = tpu.memref_slice %arg11[%dma_wait3A_376] : memref<4096xf32, #tpu.memory_space<vmem>> -> memref<2048xf32, #tpu.memory_space<vmem>>
    tpu.wait_dma2 semaphore(%arg14 : memref<!tpu.dma_semaphore, #tpu.memory_space<semaphore_mem>>) src(%dma_wait3A_377 : memref<2048xf32, #tpu.memory_space<vmem>>) dst(%dma_wait3A_375 : memref<2048xf32, #tpu.memory_space<hbm>>)
    %parallel_loop3A_378 = arith.constant 0 : i32
    %parallel_loop3A_379 = arith.constant 2048 : i32
    %parallel_loop3A_380 = arith.constant 16 : i32
    scf.for %parallel_loop3A_468 = %parallel_loop3A_378 to %parallel_loop3A_379 step %parallel_loop3A_380  : i32 {
      %parallel_loop3A_469 = arith.constant 0 : i32
      %parallel_loop3A_470 = arith.addi %parallel_loop3A_469, %parallel_loop3A_468 : i32
      %parallel_loop3A_471 = arith.index_cast %parallel_loop3A_470 : i32 to index
      %parallel_loop3A_472 = tpu.vector_load %arg10[%parallel_loop3A_471] {strides = array<i32>} : memref<20480xi32, #tpu.memory_space<vmem>>, vector<16xi32>,
      %parallel_loop3A_473 = tpu.vector_load_idx %arg9[%parallel_loop3A_472] : memref<81920xf32, #tpu.memory_space<vmem>>[vector<16xi32>], vector<16xf32>,
      %parallel_loop3A_474 = arith.constant 2048 : i32
      %parallel_loop3A_475 = arith.addi %parallel_loop3A_474, %parallel_loop3A_468 : i32
      %parallel_loop3A_476 = arith.index_cast %parallel_loop3A_475 : i32 to index
      %parallel_loop3A_477 = tpu.vector_load %arg10[%parallel_loop3A_476] {strides = array<i32>} : memref<20480xi32, #tpu.memory_space<vmem>>, vector<16xi32>,
      %parallel_loop3A_478 = arith.constant 16384 : i32
      %parallel_loop3A_479 = vector.broadcast %parallel_loop3A_478 : i32 to vector<16xi32>
      %parallel_loop3A_480 = arith.addi %parallel_loop3A_477, %parallel_loop3A_479 : vector<16xi32>
      %parallel_loop3A_481 = tpu.vector_load_idx %arg9[%parallel_loop3A_480] : memref<81920xf32, #tpu.memory_space<vmem>>[vector<16xi32>], vector<16xf32>,
      %parallel_loop3A_482 = arith.addf %parallel_loop3A_473, %parallel_loop3A_481 : vector<16xf32>
      %parallel_loop3A_483 = arith.constant 4096 : i32
      %parallel_loop3A_484 = arith.addi %parallel_loop3A_483, %parallel_loop3A_468 : i32
      %parallel_loop3A_485 = arith.index_cast %parallel_loop3A_484 : i32 to index
      %parallel_loop3A_486 = tpu.vector_load %arg10[%parallel_loop3A_485] {strides = array<i32>} : memref<20480xi32, #tpu.memory_space<vmem>>, vector<16xi32>,
      %parallel_loop3A_487 = arith.constant 32768 : i32
      %parallel_loop3A_488 = vector.broadcast %parallel_loop3A_487 : i32 to vector<16xi32>
      %parallel_loop3A_489 = arith.addi %parallel_loop3A_486, %parallel_loop3A_488 : vector<16xi32>
      %parallel_loop3A_490 = tpu.vector_load_idx %arg9[%parallel_loop3A_489] : memref<81920xf32, #tpu.memory_space<vmem>>[vector<16xi32>], vector<16xf32>,
      %parallel_loop3A_491 = arith.addf %parallel_loop3A_482, %parallel_loop3A_490 : vector<16xf32>
      %parallel_loop3A_492 = arith.constant 6144 : i32
      %parallel_loop3A_493 = arith.addi %parallel_loop3A_492, %parallel_loop3A_468 : i32
      %parallel_loop3A_494 = arith.index_cast %parallel_loop3A_493 : i32 to index
      %parallel_loop3A_495 = tpu.vector_load %arg10[%parallel_loop3A_494] {strides = array<i32>} : memref<20480xi32, #tpu.memory_space<vmem>>, vector<16xi32>,
      %parallel_loop3A_496 = arith.constant 49152 : i32
      %parallel_loop3A_497 = vector.broadcast %parallel_loop3A_496 : i32 to vector<16xi32>
      %parallel_loop3A_498 = arith.addi %parallel_loop3A_495, %parallel_loop3A_497 : vector<16xi32>
      %parallel_loop3A_499 = tpu.vector_load_idx %arg9[%parallel_loop3A_498] : memref<81920xf32, #tpu.memory_space<vmem>>[vector<16xi32>], vector<16xf32>,
      %parallel_loop3A_500 = arith.addf %parallel_loop3A_491, %parallel_loop3A_499 : vector<16xf32>
      %parallel_loop3A_501 = arith.constant 8192 : i32
      %parallel_loop3A_502 = arith.addi %parallel_loop3A_501, %parallel_loop3A_468 : i32
      %parallel_loop3A_503 = arith.index_cast %parallel_loop3A_502 : i32 to index
      %parallel_loop3A_504 = tpu.vector_load %arg10[%parallel_loop3A_503] {strides = array<i32>} : memref<20480xi32, #tpu.memory_space<vmem>>, vector<16xi32>,
      %parallel_loop3A_505 = arith.constant 65536 : i32
      %parallel_loop3A_506 = vector.broadcast %parallel_loop3A_505 : i32 to vector<16xi32>
      %parallel_loop3A_507 = arith.addi %parallel_loop3A_504, %parallel_loop3A_506 : vector<16xi32>
      %parallel_loop3A_508 = tpu.vector_load_idx %arg9[%parallel_loop3A_507] : memref<81920xf32, #tpu.memory_space<vmem>>[vector<16xi32>], vector<16xf32>,
      %parallel_loop3A_509 = arith.addf %parallel_loop3A_500, %parallel_loop3A_508 : vector<16xf32>
      %parallel_loop3A_510 = arith.constant 2.000000e-01 : f32
      %parallel_loop3A_511 = vector.broadcast %parallel_loop3A_510 : f32 to vector<16xf32>
      %parallel_loop3A_512 = arith.mulf %parallel_loop3A_509, %parallel_loop3A_511 : vector<16xf32>
      %parallel_loop3A_513 = arith.cmpf one, %parallel_loop3A_512, %parallel_loop3A_512 : vector<16xf32>
      %parallel_loop3A_514 = arith.constant 0.000000e+00 : f32
      %parallel_loop3A_515 = vector.broadcast %parallel_loop3A_514 : f32 to vector<16xf32>
      %parallel_loop3A_516 = arith.select %parallel_loop3A_513, %parallel_loop3A_515, %parallel_loop3A_512 : vector<16xi1>, vector<16xf32>
      %parallel_loop3A_517 = arith.constant -3.40282347E+38 : f32
      %parallel_loop3A_518 = arith.constant 3.40282347E+38 : f32
      %parallel_loop3A_519 = vector.broadcast %parallel_loop3A_517 : f32 to vector<16xf32>
      %parallel_loop3A_520 = arith.maximumf %parallel_loop3A_519, %parallel_loop3A_516 : vector<16xf32>
      %parallel_loop3A_521 = vector.broadcast %parallel_loop3A_518 : f32 to vector<16xf32>
      %parallel_loop3A_522 = arith.minimumf %parallel_loop3A_521, %parallel_loop3A_520 : vector<16xf32>
      %parallel_loop3A_523 = arith.constant 0 : i32
      %parallel_loop3A_524 = arith.addi %parallel_loop3A_523, %parallel_loop3A_468 : i32
      %parallel_loop3A_525 = arith.index_cast %parallel_loop3A_524 : i32 to index
      %parallel_loop3A_526 = tpu.vector_load %arg11[%parallel_loop3A_525] {strides = array<i32>} : memref<4096xf32, #tpu.memory_space<vmem>>, vector<16xf32>,
      tpu.vector_store %arg11[%parallel_loop3A_525], %parallel_loop3A_522 {strides = array<i32>} : memref<4096xf32, #tpu.memory_space<vmem>>, vector<16xf32>,
    } {sc.loop_unroll_factor = 3 : i64, sc.parallel_access}
    %add3A_381 = arith.constant 4096 : i32
    %add3A_382 = arith.addi %mul3A_2, %add3A_381 : i32
    %dma_start3A_383 = arith.constant 0 : i32
    %dma_start3A_384 = tpu.memref_slice %arg11[%dma_start3A_383] : memref<4096xf32, #tpu.memory_space<vmem>> -> memref<2048xf32, #tpu.memory_space<vmem>>
    %dma_start3A_385 = tpu.memref_slice %arg8[%add3A_382] : memref<262144xf32, #tpu.memory_space<hbm>> -> memref<2048xf32, #tpu.memory_space<hbm>>
    %dma_start3A_386 = tpu.memref_slice %arg8[%add3A_382] : memref<262144xf32, #tpu.memory_space<hbm>> -> memref<2048xf32, #tpu.memory_space<hbm>>
    %dma_start3A_387 = arith.constant 0 : i32
    %dma_start3A_388 = tpu.memref_slice %arg11[%dma_start3A_387] : memref<4096xf32, #tpu.memory_space<vmem>> -> memref<2048xf32, #tpu.memory_space<vmem>>
    tpu.enqueue_dma source(%dma_start3A_388 : memref<2048xf32, #tpu.memory_space<vmem>>) target(%dma_start3A_386 : memref<2048xf32, #tpu.memory_space<hbm>>) target_semaphore(%arg14 : memref<!tpu.dma_semaphore, #tpu.memory_space<semaphore_mem>>)
    %add3A_389 = arith.constant 0 : i32
    %add3A_390 = arith.addi %add3A_389, %mul3A_2 : i32
    %add3A_391 = arith.constant 6144 : i32
    %add3A_392 = arith.addi %add3A_390, %add3A_391 : i32
    %dma_wait3A_393 = arith.constant 10240 : i32
    %dma_wait3A_394 = tpu.memref_slice %arg10[%dma_wait3A_393] : memref<20480xi32, #tpu.memory_space<vmem>> -> memref<2048xi32, #tpu.memory_space<vmem>>
    %dma_wait3A_395 = tpu.memref_slice %arg7[%add3A_392] : memref<1310720xi32, #tpu.memory_space<hbm>> -> memref<2048xi32, #tpu.memory_space<hbm>>
    %dma_wait3A_396 = arith.constant 10240 : i32
    %dma_wait3A_397 = tpu.memref_slice %arg10[%dma_wait3A_396] : memref<20480xi32, #tpu.memory_space<vmem>> -> memref<2048xi32, #tpu.memory_space<vmem>>
    %dma_wait3A_398 = tpu.memref_slice %arg7[%add3A_392] : memref<1310720xi32, #tpu.memory_space<hbm>> -> memref<2048xi32, #tpu.memory_space<hbm>>
    tpu.wait_dma2 semaphore(%arg13 : memref<!tpu.dma_semaphore, #tpu.memory_space<semaphore_mem>>) src(%dma_wait3A_398 : memref<2048xi32, #tpu.memory_space<hbm>>) dst(%dma_wait3A_397 : memref<2048xi32, #tpu.memory_space<vmem>>)
    %add3A_399 = arith.constant 262144 : i32
    %add3A_400 = arith.addi %add3A_399, %mul3A_2 : i32
    %add3A_401 = arith.constant 6144 : i32
    %add3A_402 = arith.addi %add3A_400, %add3A_401 : i32
    %dma_wait3A_403 = arith.constant 12288 : i32
    %dma_wait3A_404 = tpu.memref_slice %arg10[%dma_wait3A_403] : memref<20480xi32, #tpu.memory_space<vmem>> -> memref<2048xi32, #tpu.memory_space<vmem>>
    %dma_wait3A_405 = tpu.memref_slice %arg7[%add3A_402] : memref<1310720xi32, #tpu.memory_space<hbm>> -> memref<2048xi32, #tpu.memory_space<hbm>>
    %dma_wait3A_406 = arith.constant 12288 : i32
    %dma_wait3A_407 = tpu.memref_slice %arg10[%dma_wait3A_406] : memref<20480xi32, #tpu.memory_space<vmem>> -> memref<2048xi32, #tpu.memory_space<vmem>>
    %dma_wait3A_408 = tpu.memref_slice %arg7[%add3A_402] : memref<1310720xi32, #tpu.memory_space<hbm>> -> memref<2048xi32, #tpu.memory_space<hbm>>
    tpu.wait_dma2 semaphore(%arg13 : memref<!tpu.dma_semaphore, #tpu.memory_space<semaphore_mem>>) src(%dma_wait3A_408 : memref<2048xi32, #tpu.memory_space<hbm>>) dst(%dma_wait3A_407 : memref<2048xi32, #tpu.memory_space<vmem>>)
    %add3A_409 = arith.constant 524288 : i32
    %add3A_410 = arith.addi %add3A_409, %mul3A_2 : i32
    %add3A_411 = arith.constant 6144 : i32
    %add3A_412 = arith.addi %add3A_410, %add3A_411 : i32
    %dma_wait3A_413 = arith.constant 14336 : i32
    %dma_wait3A_414 = tpu.memref_slice %arg10[%dma_wait3A_413] : memref<20480xi32, #tpu.memory_space<vmem>> -> memref<2048xi32, #tpu.memory_space<vmem>>
    %dma_wait3A_415 = tpu.memref_slice %arg7[%add3A_412] : memref<1310720xi32, #tpu.memory_space<hbm>> -> memref<2048xi32, #tpu.memory_space<hbm>>
    %dma_wait3A_416 = arith.constant 14336 : i32
    %dma_wait3A_417 = tpu.memref_slice %arg10[%dma_wait3A_416] : memref<20480xi32, #tpu.memory_space<vmem>> -> memref<2048xi32, #tpu.memory_space<vmem>>
    %dma_wait3A_418 = tpu.memref_slice %arg7[%add3A_412] : memref<1310720xi32, #tpu.memory_space<hbm>> -> memref<2048xi32, #tpu.memory_space<hbm>>
    tpu.wait_dma2 semaphore(%arg13 : memref<!tpu.dma_semaphore, #tpu.memory_space<semaphore_mem>>) src(%dma_wait3A_418 : memref<2048xi32, #tpu.memory_space<hbm>>) dst(%dma_wait3A_417 : memref<2048xi32, #tpu.memory_space<vmem>>)
    %add3A_419 = arith.constant 786432 : i32
    %add3A_420 = arith.addi %add3A_419, %mul3A_2 : i32
    %add3A_421 = arith.constant 6144 : i32
    %add3A_422 = arith.addi %add3A_420, %add3A_421 : i32
    %dma_wait3A_423 = arith.constant 16384 : i32
    %dma_wait3A_424 = tpu.memref_slice %arg10[%dma_wait3A_423] : memref<20480xi32, #tpu.memory_space<vmem>> -> memref<2048xi32, #tpu.memory_space<vmem>>
    %dma_wait3A_425 = tpu.memref_slice %arg7[%add3A_422] : memref<1310720xi32, #tpu.memory_space<hbm>> -> memref<2048xi32, #tpu.memory_space<hbm>>
    %dma_wait3A_426 = arith.constant 16384 : i32
    %dma_wait3A_427 = tpu.memref_slice %arg10[%dma_wait3A_426] : memref<20480xi32, #tpu.memory_space<vmem>> -> memref<2048xi32, #tpu.memory_space<vmem>>
    %dma_wait3A_428 = tpu.memref_slice %arg7[%add3A_422] : memref<1310720xi32, #tpu.memory_space<hbm>> -> memref<2048xi32, #tpu.memory_space<hbm>>
    tpu.wait_dma2 semaphore(%arg13 : memref<!tpu.dma_semaphore, #tpu.memory_space<semaphore_mem>>) src(%dma_wait3A_428 : memref<2048xi32, #tpu.memory_space<hbm>>) dst(%dma_wait3A_427 : memref<2048xi32, #tpu.memory_space<vmem>>)
    %add3A_429 = arith.constant 1048576 : i32
    %add3A_430 = arith.addi %add3A_429, %mul3A_2 : i32
    %add3A_431 = arith.constant 6144 : i32
    %add3A_432 = arith.addi %add3A_430, %add3A_431 : i32
    %dma_wait3A_433 = arith.constant 18432 : i32
    %dma_wait3A_434 = tpu.memref_slice %arg10[%dma_wait3A_433] : memref<20480xi32, #tpu.memory_space<vmem>> -> memref<2048xi32, #tpu.memory_space<vmem>>
    %dma_wait3A_435 = tpu.memref_slice %arg7[%add3A_432] : memref<1310720xi32, #tpu.memory_space<hbm>> -> memref<2048xi32, #tpu.memory_space<hbm>>
    %dma_wait3A_436 = arith.constant 18432 : i32
    %dma_wait3A_437 = tpu.memref_slice %arg10[%dma_wait3A_436] : memref<20480xi32, #tpu.memory_space<vmem>> -> memref<2048xi32, #tpu.memory_space<vmem>>
    %dma_wait3A_438 = tpu.memref_slice %arg7[%add3A_432] : memref<1310720xi32, #tpu.memory_space<hbm>> -> memref<2048xi32, #tpu.memory_space<hbm>>
    tpu.wait_dma2 semaphore(%arg13 : memref<!tpu.dma_semaphore, #tpu.memory_space<semaphore_mem>>) src(%dma_wait3A_438 : memref<2048xi32, #tpu.memory_space<hbm>>) dst(%dma_wait3A_437 : memref<2048xi32, #tpu.memory_space<vmem>>)
    %dma_wait3A_439 = arith.constant 2048 : i32
    %dma_wait3A_440 = tpu.memref_slice %arg11[%dma_wait3A_439] : memref<4096xf32, #tpu.memory_space<vmem>> -> memref<2048xf32, #tpu.memory_space<vmem>>
    %dma_wait3A_441 = tpu.memref_slice %arg8[%add3A_265] : memref<262144xf32, #tpu.memory_space<hbm>> -> memref<2048xf32, #tpu.memory_space<hbm>>
    %dma_wait3A_442 = tpu.memref_slice %arg8[%add3A_265] : memref<262144xf32, #tpu.memory_space<hbm>> -> memref<2048xf32, #tpu.memory_space<hbm>>
    %dma_wait3A_443 = arith.constant 2048 : i32
    %dma_wait3A_444 = tpu.memref_slice %arg11[%dma_wait3A_443] : memref<4096xf32, #tpu.memory_space<vmem>> -> memref<2048xf32, #tpu.memory_space<vmem>>
    tpu.wait_dma2 semaphore(%arg15 : memref<!tpu.dma_semaphore, #tpu.memory_space<semaphore_mem>>) src(%dma_wait3A_444 : memref<2048xf32, #tpu.memory_space<vmem>>) dst(%dma_wait3A_442 : memref<2048xf32, #tpu.memory_space<hbm>>)
    %parallel_loop3A_445 = arith.constant 0 : i32
    %parallel_loop3A_446 = arith.constant 2048 : i32
    %parallel_loop3A_447 = arith.constant 16 : i32
    scf.for %parallel_loop3A_468 = %parallel_loop3A_445 to %parallel_loop3A_446 step %parallel_loop3A_447  : i32 {
      %parallel_loop3A_469 = arith.constant 10240 : i32
      %parallel_loop3A_470 = arith.addi %parallel_loop3A_469, %parallel_loop3A_468 : i32
      %parallel_loop3A_471 = arith.index_cast %parallel_loop3A_470 : i32 to index
      %parallel_loop3A_472 = tpu.vector_load %arg10[%parallel_loop3A_471] {strides = array<i32>} : memref<20480xi32, #tpu.memory_space<vmem>>, vector<16xi32>,
      %parallel_loop3A_473 = tpu.vector_load_idx %arg9[%parallel_loop3A_472] : memref<81920xf32, #tpu.memory_space<vmem>>[vector<16xi32>], vector<16xf32>,
      %parallel_loop3A_474 = arith.constant 12288 : i32
      %parallel_loop3A_475 = arith.addi %parallel_loop3A_474, %parallel_loop3A_468 : i32
      %parallel_loop3A_476 = arith.index_cast %parallel_loop3A_475 : i32 to index
      %parallel_loop3A_477 = tpu.vector_load %arg10[%parallel_loop3A_476] {strides = array<i32>} : memref<20480xi32, #tpu.memory_space<vmem>>, vector<16xi32>,
      %parallel_loop3A_478 = arith.constant 16384 : i32
      %parallel_loop3A_479 = vector.broadcast %parallel_loop3A_478 : i32 to vector<16xi32>
      %parallel_loop3A_480 = arith.addi %parallel_loop3A_477, %parallel_loop3A_479 : vector<16xi32>
      %parallel_loop3A_481 = tpu.vector_load_idx %arg9[%parallel_loop3A_480] : memref<81920xf32, #tpu.memory_space<vmem>>[vector<16xi32>], vector<16xf32>,
      %parallel_loop3A_482 = arith.addf %parallel_loop3A_473, %parallel_loop3A_481 : vector<16xf32>
      %parallel_loop3A_483 = arith.constant 14336 : i32
      %parallel_loop3A_484 = arith.addi %parallel_loop3A_483, %parallel_loop3A_468 : i32
      %parallel_loop3A_485 = arith.index_cast %parallel_loop3A_484 : i32 to index
      %parallel_loop3A_486 = tpu.vector_load %arg10[%parallel_loop3A_485] {strides = array<i32>} : memref<20480xi32, #tpu.memory_space<vmem>>, vector<16xi32>,
      %parallel_loop3A_487 = arith.constant 32768 : i32
      %parallel_loop3A_488 = vector.broadcast %parallel_loop3A_487 : i32 to vector<16xi32>
      %parallel_loop3A_489 = arith.addi %parallel_loop3A_486, %parallel_loop3A_488 : vector<16xi32>
      %parallel_loop3A_490 = tpu.vector_load_idx %arg9[%parallel_loop3A_489] : memref<81920xf32, #tpu.memory_space<vmem>>[vector<16xi32>], vector<16xf32>,
      %parallel_loop3A_491 = arith.addf %parallel_loop3A_482, %parallel_loop3A_490 : vector<16xf32>
      %parallel_loop3A_492 = arith.constant 16384 : i32
      %parallel_loop3A_493 = arith.addi %parallel_loop3A_492, %parallel_loop3A_468 : i32
      %parallel_loop3A_494 = arith.index_cast %parallel_loop3A_493 : i32 to index
      %parallel_loop3A_495 = tpu.vector_load %arg10[%parallel_loop3A_494] {strides = array<i32>} : memref<20480xi32, #tpu.memory_space<vmem>>, vector<16xi32>,
      %parallel_loop3A_496 = arith.constant 49152 : i32
      %parallel_loop3A_497 = vector.broadcast %parallel_loop3A_496 : i32 to vector<16xi32>
      %parallel_loop3A_498 = arith.addi %parallel_loop3A_495, %parallel_loop3A_497 : vector<16xi32>
      %parallel_loop3A_499 = tpu.vector_load_idx %arg9[%parallel_loop3A_498] : memref<81920xf32, #tpu.memory_space<vmem>>[vector<16xi32>], vector<16xf32>,
      %parallel_loop3A_500 = arith.addf %parallel_loop3A_491, %parallel_loop3A_499 : vector<16xf32>
      %parallel_loop3A_501 = arith.constant 18432 : i32
      %parallel_loop3A_502 = arith.addi %parallel_loop3A_501, %parallel_loop3A_468 : i32
      %parallel_loop3A_503 = arith.index_cast %parallel_loop3A_502 : i32 to index
      %parallel_loop3A_504 = tpu.vector_load %arg10[%parallel_loop3A_503] {strides = array<i32>} : memref<20480xi32, #tpu.memory_space<vmem>>, vector<16xi32>,
      %parallel_loop3A_505 = arith.constant 65536 : i32
      %parallel_loop3A_506 = vector.broadcast %parallel_loop3A_505 : i32 to vector<16xi32>
      %parallel_loop3A_507 = arith.addi %parallel_loop3A_504, %parallel_loop3A_506 : vector<16xi32>
      %parallel_loop3A_508 = tpu.vector_load_idx %arg9[%parallel_loop3A_507] : memref<81920xf32, #tpu.memory_space<vmem>>[vector<16xi32>], vector<16xf32>,
      %parallel_loop3A_509 = arith.addf %parallel_loop3A_500, %parallel_loop3A_508 : vector<16xf32>
      %parallel_loop3A_510 = arith.constant 2.000000e-01 : f32
      %parallel_loop3A_511 = vector.broadcast %parallel_loop3A_510 : f32 to vector<16xf32>
      %parallel_loop3A_512 = arith.mulf %parallel_loop3A_509, %parallel_loop3A_511 : vector<16xf32>
      %parallel_loop3A_513 = arith.cmpf one, %parallel_loop3A_512, %parallel_loop3A_512 : vector<16xf32>
      %parallel_loop3A_514 = arith.constant 0.000000e+00 : f32
      %parallel_loop3A_515 = vector.broadcast %parallel_loop3A_514 : f32 to vector<16xf32>
      %parallel_loop3A_516 = arith.select %parallel_loop3A_513, %parallel_loop3A_515, %parallel_loop3A_512 : vector<16xi1>, vector<16xf32>
      %parallel_loop3A_517 = arith.constant -3.40282347E+38 : f32
      %parallel_loop3A_518 = arith.constant 3.40282347E+38 : f32
      %parallel_loop3A_519 = vector.broadcast %parallel_loop3A_517 : f32 to vector<16xf32>
      %parallel_loop3A_520 = arith.maximumf %parallel_loop3A_519, %parallel_loop3A_516 : vector<16xf32>
      %parallel_loop3A_521 = vector.broadcast %parallel_loop3A_518 : f32 to vector<16xf32>
      %parallel_loop3A_522 = arith.minimumf %parallel_loop3A_521, %parallel_loop3A_520 : vector<16xf32>
      %parallel_loop3A_523 = arith.constant 2048 : i32
      %parallel_loop3A_524 = arith.addi %parallel_loop3A_523, %parallel_loop3A_468 : i32
      %parallel_loop3A_525 = arith.index_cast %parallel_loop3A_524 : i32 to index
      %parallel_loop3A_526 = tpu.vector_load %arg11[%parallel_loop3A_525] {strides = array<i32>} : memref<4096xf32, #tpu.memory_space<vmem>>, vector<16xf32>,
      tpu.vector_store %arg11[%parallel_loop3A_525], %parallel_loop3A_522 {strides = array<i32>} : memref<4096xf32, #tpu.memory_space<vmem>>, vector<16xf32>,
    } {sc.loop_unroll_factor = 3 : i64, sc.parallel_access}
    %add3A_448 = arith.constant 6144 : i32
    %add3A_449 = arith.addi %mul3A_2, %add3A_448 : i32
    %dma_start3A_450 = arith.constant 2048 : i32
    %dma_start3A_451 = tpu.memref_slice %arg11[%dma_start3A_450] : memref<4096xf32, #tpu.memory_space<vmem>> -> memref<2048xf32, #tpu.memory_space<vmem>>
    %dma_start3A_452 = tpu.memref_slice %arg8[%add3A_449] : memref<262144xf32, #tpu.memory_space<hbm>> -> memref<2048xf32, #tpu.memory_space<hbm>>
    %dma_start3A_453 = tpu.memref_slice %arg8[%add3A_449] : memref<262144xf32, #tpu.memory_space<hbm>> -> memref<2048xf32, #tpu.memory_space<hbm>>
    %dma_start3A_454 = arith.constant 2048 : i32
    %dma_start3A_455 = tpu.memref_slice %arg11[%dma_start3A_454] : memref<4096xf32, #tpu.memory_space<vmem>> -> memref<2048xf32, #tpu.memory_space<vmem>>
    tpu.enqueue_dma source(%dma_start3A_455 : memref<2048xf32, #tpu.memory_space<vmem>>) target(%dma_start3A_453 : memref<2048xf32, #tpu.memory_space<hbm>>) target_semaphore(%arg15 : memref<!tpu.dma_semaphore, #tpu.memory_space<semaphore_mem>>)
    %dma_wait3A_456 = arith.constant 0 : i32
    %dma_wait3A_457 = tpu.memref_slice %arg11[%dma_wait3A_456] : memref<4096xf32, #tpu.memory_space<vmem>> -> memref<2048xf32, #tpu.memory_space<vmem>>
    %dma_wait3A_458 = tpu.memref_slice %arg8[%add3A_382] : memref<262144xf32, #tpu.memory_space<hbm>> -> memref<2048xf32, #tpu.memory_space<hbm>>
    %dma_wait3A_459 = tpu.memref_slice %arg8[%add3A_382] : memref<262144xf32, #tpu.memory_space<hbm>> -> memref<2048xf32, #tpu.memory_space<hbm>>
    %dma_wait3A_460 = arith.constant 0 : i32
    %dma_wait3A_461 = tpu.memref_slice %arg11[%dma_wait3A_460] : memref<4096xf32, #tpu.memory_space<vmem>> -> memref<2048xf32, #tpu.memory_space<vmem>>
    tpu.wait_dma2 semaphore(%arg14 : memref<!tpu.dma_semaphore, #tpu.memory_space<semaphore_mem>>) src(%dma_wait3A_461 : memref<2048xf32, #tpu.memory_space<vmem>>) dst(%dma_wait3A_459 : memref<2048xf32, #tpu.memory_space<hbm>>)
    %dma_wait3A_462 = arith.constant 2048 : i32
    %dma_wait3A_463 = tpu.memref_slice %arg11[%dma_wait3A_462] : memref<4096xf32, #tpu.memory_space<vmem>> -> memref<2048xf32, #tpu.memory_space<vmem>>
    %dma_wait3A_464 = tpu.memref_slice %arg8[%add3A_449] : memref<262144xf32, #tpu.memory_space<hbm>> -> memref<2048xf32, #tpu.memory_space<hbm>>
    %dma_wait3A_465 = tpu.memref_slice %arg8[%add3A_449] : memref<262144xf32, #tpu.memory_space<hbm>> -> memref<2048xf32, #tpu.memory_space<hbm>>
    %dma_wait3A_466 = arith.constant 2048 : i32
    %dma_wait3A_467 = tpu.memref_slice %arg11[%dma_wait3A_466] : memref<4096xf32, #tpu.memory_space<vmem>> -> memref<2048xf32, #tpu.memory_space<vmem>>
    tpu.wait_dma2 semaphore(%arg15 : memref<!tpu.dma_semaphore, #tpu.memory_space<semaphore_mem>>) src(%dma_wait3A_467 : memref<2048xf32, #tpu.memory_space<vmem>>) dst(%dma_wait3A_465 : memref<2048xf32, #tpu.memory_space<hbm>>)
    return
  }
}

module attributes {stable_mosaic.version = 14 : i64} {
  func.func @_table_body(%arg0: memref<5x16xf32, #tpu.memory_space<vmem>>, %arg1: memref<16384x16xf32, #tpu.memory_space<vmem>>, %arg2: memref<16384xf32, #tpu.memory_space<vmem>>, %arg3: memref<16384xf32, #tpu.memory_space<vmem>>, %arg4: memref<16384xf32, #tpu.memory_space<vmem>>, %arg5: memref<16384xf32, #tpu.memory_space<vmem>>, %arg6: memref<16384xf32, #tpu.memory_space<vmem>>) attributes {dimension_semantics = [], scalar_prefetch = 0 : i64, scratch_operands = 0 : i64, tpu.core_type = #tpu.core_type<tc>} {
    %get3A = arith.constant 0 : index
    %get3A_0 = arith.constant 0 : index
    %get3A_1 = vector.load %arg0[%get3A, %get3A_0] : memref<5x16xf32, #tpu.memory_space<vmem>>, vector<5x16xf32>
    %get3A_2 = arith.constant 0 : index
    %get3A_3 = arith.constant 0 : index
    %get3A_4 = vector.load %arg1[%get3A_2, %get3A_3] : memref<16384x16xf32, #tpu.memory_space<vmem>>, vector<16384x16xf32>
    %dot_general3A = arith.constant dense<0.000000e+00> : vector<5x16384xf32>
    %dot_general3A_5 = tpu.matmul %get3A_1, %get3A_4, %dot_general3A {dimension_numbers = #tpu.dot_dimension_numbers<[1], [1], [0], [0], [0, 0, 1, 0], [], []>, transpose_lhs_hint = false} : vector<5x16xf32>, vector<16384x16xf32>, vector<5x16384xf32> -> vector<5x16384xf32>
    %slice3A = vector.extract_strided_slice %dot_general3A_5 {offsets = [0, 0], sizes = [1, 16384], strides = [1, 1]} : vector<5x16384xf32> to vector<1x16384xf32>
    %squeeze3A = vector.shape_cast %slice3A : vector<1x16384xf32> to vector<16384xf32>
    %swap3A = arith.constant 0 : index
    %swap3A_6 = vector.load %arg2[%swap3A] : memref<16384xf32, #tpu.memory_space<vmem>>, vector<16384xf32>
    tpu.vector_store %arg2[%swap3A], %squeeze3A {strides = array<i32>} : memref<16384xf32, #tpu.memory_space<vmem>>, vector<16384xf32>,
    %slice3A_7 = vector.extract_strided_slice %dot_general3A_5 {offsets = [1, 0], sizes = [1, 16384], strides = [1, 1]} : vector<5x16384xf32> to vector<1x16384xf32>
    %squeeze3A_8 = vector.shape_cast %slice3A_7 : vector<1x16384xf32> to vector<16384xf32>
    %swap3A_9 = arith.constant 0 : index
    %swap3A_10 = vector.load %arg3[%swap3A_9] : memref<16384xf32, #tpu.memory_space<vmem>>, vector<16384xf32>
    tpu.vector_store %arg3[%swap3A_9], %squeeze3A_8 {strides = array<i32>} : memref<16384xf32, #tpu.memory_space<vmem>>, vector<16384xf32>,
    %slice3A_11 = vector.extract_strided_slice %dot_general3A_5 {offsets = [2, 0], sizes = [1, 16384], strides = [1, 1]} : vector<5x16384xf32> to vector<1x16384xf32>
    %squeeze3A_12 = vector.shape_cast %slice3A_11 : vector<1x16384xf32> to vector<16384xf32>
    %swap3A_13 = arith.constant 0 : index
    %swap3A_14 = vector.load %arg4[%swap3A_13] : memref<16384xf32, #tpu.memory_space<vmem>>, vector<16384xf32>
    tpu.vector_store %arg4[%swap3A_13], %squeeze3A_12 {strides = array<i32>} : memref<16384xf32, #tpu.memory_space<vmem>>, vector<16384xf32>,
    %slice3A_15 = vector.extract_strided_slice %dot_general3A_5 {offsets = [3, 0], sizes = [1, 16384], strides = [1, 1]} : vector<5x16384xf32> to vector<1x16384xf32>
    %squeeze3A_16 = vector.shape_cast %slice3A_15 : vector<1x16384xf32> to vector<16384xf32>
    %swap3A_17 = arith.constant 0 : index
    %swap3A_18 = vector.load %arg5[%swap3A_17] : memref<16384xf32, #tpu.memory_space<vmem>>, vector<16384xf32>
    tpu.vector_store %arg5[%swap3A_17], %squeeze3A_16 {strides = array<i32>} : memref<16384xf32, #tpu.memory_space<vmem>>, vector<16384xf32>,
    %slice3A_19 = vector.extract_strided_slice %dot_general3A_5 {offsets = [4, 0], sizes = [1, 16384], strides = [1, 1]} : vector<5x16384xf32> to vector<1x16384xf32>
    %squeeze3A_20 = vector.shape_cast %slice3A_19 : vector<1x16384xf32> to vector<16384xf32>
    %swap3A_21 = arith.constant 0 : index
    %swap3A_22 = vector.load %arg6[%swap3A_21] : memref<16384xf32, #tpu.memory_space<vmem>>, vector<16384xf32>
    tpu.vector_store %arg6[%swap3A_21], %squeeze3A_20 {strides = array<i32>} : memref<16384xf32, #tpu.memory_space<vmem>>, vector<16384xf32>,
    return
  }
}

</mosaic_0001>

<sc_bundles>
// kernel: kernel.4.cloned.1.call-start
scs
__scs_entry_jumppad:
0x0: {  	(pc) =	sbr.rel $0x88, $3  }
0x1: {  	(tag) =	ssettag $0x0;
	lr =	simm.s32 $0x1  }
0x2: {  	[smem:$0x3F9E] =	sst lr;
	_ =	strace $0xD0000000  }
0x3: {  	_ = 	snop  }
0x4: {  	_ = 	snop  }
0x5: {  	_ = 	snop  }
0x6: {  	_ = 	snop  }
0x7: {  	_ = 	snop  }
__scs_overlays_trampoline_lowered:
0x8: {  	[smem:$0x3FAD] =	sst s0  }
0x9: {  	[smem:$0x3FAE] =	sst s1  }
0xa: {  	[smem:$0x3FAF] =	sst s2  }
0xb: {  	[smem:$0x3FB0] =	sst s3  }
0xc: {  	[smem:$0x3FB1] =	sst s4  }
0xd: {  	[smem:$0x3FB2] =	sst s5  }
0xe: {  	[smem:$0x3FB3] =	sst s6  }
0xf: {  	[smem:$0x3FB4] =	sst s7  }
0x10: {  	[smem:$0x3FB5] =	sst s8  }
0x11: {  	[smem:$0x3FB6] =	sst s9;
	s0 =	simm.s32 @!p0 $0x0  }
0x12: {  	s1 =	sld [smem:$0x3F9C];
	s0 =	simm.s32 @p0 $0x1  }
0x13: {  	[smem:$0x3FB7] =	sst s0;
	s0 =	simm.s32 @!p1 $0x0  }
0x14: {  	s2 =	sld [smem:$0x3F9B];
	s0 =	simm.s32 @p1 $0x1  }
0x15: {  	[smem:$0x3FB8] =	sst s0;
	s0 =	simm.s32 @!p2 $0x0  }
0x16: {  	s3 =	sld [smem:$0x3FDB];
	s0 =	simm.s32 @p2 $0x1  }
0x17: {  	s4 =	simm.s32 $0x1BF5;
	[smem:$0x3FBA] =	sst s0  }
0x18: {  	s0 =	sld [smem:$0x3F9D];
	_ =	swait.ge [sflag:s4], $0x0  }
0x19: {  	s7 =	sld [smem:$0x3F9E]  }
0x1a: {  	s8 =	sadd.s32 $0xFFFFE003, lr  }
0x1b: {  	s9 =	sadd.s32 $0xFFFFFEF7, lr;
	s5 =	simm.s32 $0xFFFFFFFF;
	p2 =	slt.u32 s8, $0xFFFFF086  }
0x1c: {  	p1 =	slt.u32 s9, $0xF7A;
	s5 =	simm.s32 @!p2 $0x0  }
0x1d: {  	s5 =	simm.s32 @p1 $0x1;
	p0 =	seq.s32 s7, s2  }
0x1e: {  	s7 =	smul.u32 @!p0 $0xF7A, s2;
	p2 =	seq.s32 @!p0 s5, $0x0  }
0x1f: {  	s9 =	smul.u32 $0xF7A, s1;
	s8 =	simm.s32 @!p0 $0x1BF5;
	p2 =	por !p2, p0  }
0x20: {  	[sflag:s8] =	ssyncset.s32 @!p0 $0xFFFFF086;
	s6 =	sadd.s32 @!p0 s3, s7;
	s7 =	simm.s32 @!p0 $0x108  }
0x21: {  	s3 =	sadd.s32 s3, s9;
	s6 =	sadd.s32 @!p0 $0x88, s6;
	s7 =	simm.s32 @p2 $0x1082  }
0x22: {  	[simem:s7], [sflag:s8] =	dma.local @!p0 [hbm:s6], $0xF7A  }
0x23: {  	s9 =	sor.u32 $0xD0000000, s2;
	s6 =	simm.s32 $0x108;
	_ =	swait.ge @!p0 [sflag:s8], $0x0  }
0x24: {  	s3 =	sadd.s32 $0x88, s3;
	s6 =	simm.s32 @!p1 $0x1082;
	[sflag:s4] =	ssyncset.s32 $0xFFFFF086  }
0x25: {  	[simem:s6], [sflag:s4] =	dma.local [hbm:s3], $0xF7A  }
0x26: {  	[smem:$0x3F9E] =	sst s1;
	(tag) =	ssettag s2;
	_ =	strace s9  }
0x27: {  	s1 =	sld [smem:$0x3FAE]  }
0x28: {  	s2 =	sld [smem:$0x3FAF]  }
0x29: {  	s4 =	sld [smem:$0x3FB1]  }
0x2a: {  	p0 =	seq.s32 s5, $0x0;
	s5 =	sld [smem:$0x3FB2]  }
0x2b: {  	s6 =	sld [smem:$0x3FB3]  }
0x2c: {  	s7 =	sld [smem:$0x3FB4]  }
0x2d: {  	s3 =	simm.s32 $0x108;
	s8 =	sld [smem:$0x3FB5]  }
0x2e: {  	s3 =	simm.s32 @!p0 $0x1082;
	s9 =	sld [smem:$0x3FB6]  }
0x2f: {  	lr =	sadd.s32 s0, s3;
	s0 =	sld [smem:$0x3FAD]  }
0x30: {  	s3 =	sld [smem:$0x3FB0]  }
0x31: {  	[smem:$0x3FB9] =	sst s10  }
0x32: {  	s10 =	sld [smem:$0x3FB7];
	_ =	sdelay $0x3  }
0x33: {  	p0 =	seq.s32 s10, $0x1;
	s10 =	sld [smem:$0x3FB9];
	_ =	sdelay $0x3  }
0x34: {  	[smem:$0x3FB9] =	sst s10  }
0x35: {  	s10 =	sld [smem:$0x3FB8];
	_ =	sdelay $0x3  }
0x36: {  	p1 =	seq.s32 s10, $0x1;
	s10 =	sld [smem:$0x3FB9];
	_ =	sdelay $0x3  }
0x37: {  	[smem:$0x3FB9] =	sst s10  }
0x38: {  	s10 =	sld [smem:$0x3FBA]  }
0x39: {  	_ = 	snop;
	(pc) =	sbr.ind lr, $3  }
0x3a: {  	_ = 	snop  }
0x3b: {  	_ = 	snop  }
0x3c: {  	p2 =	seq.s32 s10, $0x1;
	s10 =	sld [smem:$0x3FB9]  }
0x3d: {  	_ =	shalt  }
0x3e: {  	_ =	shalt  }
0x3f: {  	_ =	shalt  }
0x40: {  	_ =	shalt  }
0x41: {  	_ =	shalt  }
0x42: {  	_ =	shalt  }
0x43: {  	_ =	shalt  }
0x44: {  	_ =	shalt  }
0x45: {  	_ =	shalt  }
0x46: {  	_ =	shalt  }
0x47: {  	_ =	shalt  }
0x48: {  	_ =	shalt  }
0x49: {  	_ =	shalt  }
0x4a: {  	_ =	shalt  }
0x4b: {  	_ =	shalt  }
0x4c: {  	_ =	shalt  }
0x4d: {  	_ =	shalt  }
0x4e: {  	_ =	shalt  }
0x4f: {  	_ =	shalt  }
0x50: {  	_ =	shalt  }
0x51: {  	_ =	shalt  }
0x52: {  	_ =	shalt  }
0x53: {  	_ =	shalt  }
0x54: {  	_ =	shalt  }
0x55: {  	_ =	shalt  }
0x56: {  	_ =	shalt  }
0x57: {  	_ =	shalt  }
0x58: {  	_ =	shalt  }
0x59: {  	_ =	shalt  }
0x5a: {  	_ =	shalt  }
0x5b: {  	_ =	shalt  }
0x5c: {  	_ =	shalt  }
0x5d: {  	_ =	shalt  }
0x5e: {  	_ =	shalt  }
0x5f: {  	_ =	shalt  }
0x60: {  	_ =	shalt  }
0x61: {  	_ =	shalt  }
0x62: {  	_ =	shalt  }
0x63: {  	_ =	shalt  }
0x64: {  	_ =	shalt  }
0x65: {  	_ =	shalt  }
0x66: {  	_ =	shalt  }
0x67: {  	_ =	shalt  }
0x68: {  	_ =	shalt  }
0x69: {  	_ =	shalt  }
0x6a: {  	_ =	shalt  }
0x6b: {  	_ =	shalt  }
0x6c: {  	_ =	shalt  }
0x6d: {  	_ =	shalt  }
0x6e: {  	_ =	shalt  }
0x6f: {  	_ =	shalt  }
0x70: {  	_ =	shalt  }
0x71: {  	_ =	shalt  }
0x72: {  	_ =	shalt  }
0x73: {  	_ =	shalt  }
0x74: {  	_ =	shalt  }
0x75: {  	_ =	shalt  }
0x76: {  	_ =	shalt  }
0x77: {  	_ =	shalt  }
0x78: {  	_ =	shalt  }
0x79: {  	_ =	shalt  }
0x7a: {  	_ =	shalt  }
0x7b: {  	_ =	shalt  }
0x7c: {  	_ =	shalt  }
0x7d: {  	_ =	shalt  }
0x7e: {  	_ =	shalt  }
0x7f: {  	_ =	shalt  }
0x80: {  	_ =	shalt  }
0x81: {  	_ =	shalt  }
0x82: {  	_ =	shalt  }
0x83: {  	_ =	shalt  }
0x84: {  	_ =	shalt  }
0x85: {  	_ =	shalt  }
0x86: {  	_ =	shalt  }
0x87: {  	_ =	shalt  }
.Lfunc_end0:
.L_simem_size_0:
called_computation_lowered:
.L_overlay_start_0:
0x88: {  	s2 =	sld [smem:$0x3FD9]  }
0x89: {  	s3 =	sld [smem:$0x3FFE];
	_ =	sdelay $0x1  }
0x8a: {  	s1 =	srdreg.scid  }
0x8b: {  	s0 =	sand.u32 $0x1, s1  }
0x8c: {  	s17 =	sshll.u32 s0, $0xA;
	s2 =	sadd.s32 s3, s2  }
0x8d: {  	s2 =	sadd.s32 s2, s17  }
0x8e: {  	[smem:$0x3FC5] =	sst s2  }
0x8f: {  	_ = 	snop  }
0x90: {  	s2 =	sld [smem:$0x3FD0];
	(tm) =	ssettm $0x1  }
0x91: {  	s18 =	sld [smem:$0x3FFB];
	_ =	sdelay $0x3  }
0x92: {  	_ =	strace s18  }
0x93: {  	s3 =	sld [smem:$0x3FFC];
	_ =	sdelay $0x3  }
0x94: {  	_ =	strace s3  }
0x95: {  	s3 =	sld [smem:$0x3FFD];
	_ =	sdelay $0x3  }
0x96: {  	_ =	strace s3  }
0x97: {  	_ =	strace $0x8FFFFFFF  }
0x98: {  	s19 =	sld [smem:$0x3FDB];
	_ =	sdelay $0x1  }
0x99: {  	s4 =	simm.s32 $_scs_section_size  }
0x9a: {  	s5 =	simm.s32 $_size__tile_overlayer_lowered;
	s6 =	simm.s32 $_tile_overlayer_lowered  }
0x9b: {  	s22 =	simm.s32 $0x1BFF;
	s21 =	sshll.u32 s6, $0x1;
	s3 =	sadd.s32 s4, s19  }
0x9c: {  	s7 =	simm.s32 $0x0;
	s20 =	sshll.u32 s5, $0x1;
	s5 =	sadd.s32 s21, s3  }
0x9d: {  	[timem:s7], [sflag:s22] =	dma.local [hbm:s5], s20  }
0x9e: {  	_ =	swait.ge [sflag:s22], s20  }
0x9f: {  	s4 =	ssub.s32 $0x0, s20;
	[sflag:s22] =	ssyncset.done $0x0  }
0xa0: {  	[sflag:s22] =	ssyncadd.s32 s4;
	_ =	sdelay $0x1  }
0xa1: {  	s23 =	simm.s32 $0x1B8B  }
0xa2: {  	_ =	swait.ge [sflag:s23], $0x1  }
0xa3: {  	[sflag:s23] =	ssyncset.done $0x0  }
0xa4: {  	s25 =	simm.s32 $0x1B8E;
	s24 =	sld [smem:$0x3FFE];
	[sflag:s23] =	ssyncadd.s32 $0xFFFFFFFF  }
0xa5: {  	s26 =	simm.s32 $execute0_lowered;
	[smem:$0x3FD2] =	sst s25  }
0xa6: {  	s5 =	sshll.u32 s26, $0x1;
	_ =	strace $0x80000046;
	[dreg:$0x1] =	wrdreg $0xFFFFFFFF  }
0xa7: {  	s28 =	simm.s32 $_size_execute0_lowered;
	s3 =	sadd.s32 s3, s5;
	[dreg:$0x0] =	wrdreg $0x0  }
0xa8: {  	s5 =	sshll.u32 s28, $0x1;
	[dreg:$0x2] =	wrdreg s3  }
0xa9: {  	[dreg:$0x3] =	wrdreg s5  }
0xaa: {  	[dreg:$0x4] =	wrdreg $0xC0  }
0xab: {  	_ =	task [dreg:s7], $0x5FFFF  }
0xac: {  	[dreg:$0x1] =	wrdreg $0xFFFFFFFF  }
0xad: {  	[dreg:$0x0] =	wrdreg $0x60  }
0xae: {  	[dreg:$0x2] =	wrdreg s2  }
0xaf: {  	[dreg:$0x3] =	wrdreg s24  }
0xb0: {  	[dreg:$0x4] =	wrdreg $0x9  }
0xb1: {  	_ =	task.clear_ibuf [dreg:s7], $0x5FFFF;
	_ =	strace $0x90000046  }
0xb2: {  	s29 =	simm.s32 $0x9;
	_ =	strace $0x80000048  }
0xb3: {  	_ =	swait.ge [sflag:s29], $0x1  }
0xb4: {  	[sflag:s29] =	ssyncadd.s32 $0xFFFFFFFF  }
0xb5: {  	_ =	strace $0x90000048  }
0xb6: {  	_ =	sfence  }
0xb7: {  	s30 =	sld [smem:$0x0];
	_ =	sdelay $0x2  }
0xb8: {  	s31 =	sshll.u32 s1, $0xD;
	s1 =	sshrl.u32 s1, $0x2  }
0xb9: {  	s3 =	sand.u32 $0x4000, s31;
	s1 =	sadd.s32 s1, s30  }
0xba: {  	s0 =	sor.u32 s3, s0;
	s1 =	sshll.u32 s1, $0x11  }
0xbb: {  	s0 =	sor.u32 s1, s0  }
0xbc: {  	s0 =	sadd.s32 $0x8F2B, s0  }
0xbd: {  	[sflag:s0] =	ssyncadd.remote.s32 $0x1  }
0xbe: {  	_ =	sfence.sel $0xFFFF  }
0xbf: {  	[dreg:$0x0] =	wrdreg $0xFFFFFFFF;
	(pc) =	sbr.abs _section_cstart, $3  }
0xc0: {  	[dreg:$0x1] =	wrdreg $0xFFFFFFFF  }
0xc1: {  	_ =	task.clear_ibuf [dreg:s7], $0x2FFFF;
	_ =	strace $0x9FFFFFFF  }
0xc2: {  	(tm) =	ssettm $0x7FFFFFFF  }
0xc3: {  	_ =	shalt  }
tec
execute0_lowered:
.L_overlay_start_1:
0x0: {  	(tag) =	ssettag $0x1  }
0x1: {  	s0 =	rddreg [dreg:$0x1];
	s2 =	simm.s32 $0x0;
	s9 =	srdreg.scid  }
0x2: {  	s10 =	stileid.u32;
	[smem:$0x7FF] =	sst s2  }
0x3: {  	s1 =	sadd.s32 $0x29A00, s0;
	s3 =	sadd.s32 $0x2A200, s0;
	s4 =	sadd.s32 $0x2AA00, s0  }
0x4: {  	s5 =	sadd.s32 $0x1A00, s0;
	_ =	strace $0x80000047;
	[dreg:$0x3] =	wrdreg s1  }
0x5: {  	s12 =	sadd.s32 $0x2B200, s0;
	s0 =	sadd.s32 $0x2BA00, s0;
	[dreg:$0x4] =	wrdreg s3  }
0x6: {  	s1 =	sand.u32 $0x1, s9;
	[dreg:$0x5] =	wrdreg s4;
	s3 =	sshll.u32 s10, $0xB  }
0x7: {  	[dreg:$0x6] =	wrdreg s12;
	s9 =	simm.s32 $0x5;
	s11 =	sshll.u32 s1, $0xA  }
0x8: {  	s10 =	simm.s32 $0x1;
	s12 =	simm.s32 $0x17000;
	s3 =	sor.u32 s11, s3  }
0x9: {  	s1 =	ssub.s32 $0x2, s1;
	s8 =	sadd.s32 s5, s3;
	s23 =	sadd.s32 s0, s3  }
0xa: {  	s13 =	sshrl.u32 s1, $0x1;
	s14 =	sadd.s32 $0x8000, s8;
	[dreg:$0x10] =	wrdreg s23  }
0xb: {  	s1 =	ssub.s32 s1, s13;
	s15 =	sadd.s32 $0x10000, s8;
	[dreg:$0x7] =	wrdreg s14  }
0xc: {  	s17 =	sor.u32 $0x100, s3;
	s16 =	sadd.s32 $0x18000, s8;
	[dreg:$0x8] =	wrdreg s15  }
0xd: {  	s24 =	sor.u32 $0x200, s3;
	s6 =	sadd.s32 $0x20000, s8;
	[dreg:$0x9] =	wrdreg s16  }
0xe: {  	s3 =	sor.u32 $0x300, s3;
	s18 =	sadd.s32 s5, s17;
	[dreg:$0xa] =	wrdreg s6  }
0xf: {  	s13 =	simm.s32 $0x18000;
	s19 =	sadd.s32 $0x8100, s8;
	[dreg:$0xb] =	wrdreg s18  }
0x10: {  	s20 =	sadd.s32 $0x10100, s8;
	s21 =	sadd.s32 $0x18100, s8;
	[dreg:$0xc] =	wrdreg s19  }
0x11: {  	s22 =	sadd.s32 $0x20100, s8;
	s7 =	sadd.s32 s5, s24;
	[dreg:$0xd] =	wrdreg s20  }
0x12: {  	s4 =	sadd.s32 s0, s17;
	s25 =	sadd.s32 s5, s3;
	[dreg:$0xe] =	wrdreg s21  }
0x13: {  	s26 =	sadd.s32 s0, s24;
	s23 =	sadd.s32 s0, s3;
	[dreg:$0xf] =	wrdreg s22  }
0x14: {  	s24 =	sadd.s32 $0x8200, s8;
	s28 =	sadd.s32 $0x18200, s8;
	[dreg:$0x11] =	wrdreg s7  }
0x15: {  	s29 =	sadd.s32 $0x20200, s8;
	s30 =	sadd.s32 $0x8300, s8;
	[dreg:$0x12] =	wrdreg s4  }
0x16: {  	s31 =	sadd.s32 $0x10300, s8;
	s0 =	sadd.s32 $0x18300, s8;
	[dreg:$0x13] =	wrdreg s25  }
0x17: {  	s3 =	sadd.s32 $0x20300, s8;
	s5 =	simm.s32 $0x2;
	[dreg:$0x14] =	wrdreg s26  }
0x18: {  	s25 =	smax.u32 s1, $0x1;
	s26 =	sadd.s32 $0x10200, s8;
	s1 =	simm.s32 $0x17800  }
0x19: {  	s4 =	simm.s32 $0x18800;
	s14 =	simm.s32 $0x19000;
	s15 =	simm.s32 $0x19800  }
0x1a: {  	s6 =	simm.s32 $0x3;
	s16 =	simm.s32 $0x4;
	s7 =	simm.s32 $0x0  }
.LBB2_1:
0x1b: {  	s11 =	simm.s32 $0x14000  }
0x1c: {  	[tilespmem:s11], [sflag:$0x1] =	stream.linear.gather [hbm4b:s8+s2], $0x800, $0x38;
	[tilespmem:$0x1A000] =	vst v63  }
0x1d: {  	s20 =	rddreg [dreg:$0x7];
	s17 =	simm.s32 $0x14800  }
0x1e: {  	[tilespmem:s17], [sflag:$0x1] =	stream.linear.gather [hbm4b:s20+s2], $0x800, $0x38;
	[tilespmem:$0x1A000] =	vst v63  }
0x1f: {  	s21 =	rddreg [dreg:$0x8];
	s22 =	simm.s32 $0x15000  }
0x20: {  	[tilespmem:s22], [sflag:$0x1] =	stream.linear.gather [hbm4b:s21+s2], $0x800, $0x38;
	[tilespmem:$0x1A000] =	vst v63  }
0x21: {  	s18 =	rddreg [dreg:$0x9];
	s19 =	simm.s32 $0x15800  }
0x22: {  	[tilespmem:s19], [sflag:$0x1] =	stream.linear.gather [hbm4b:s18+s2], $0x800, $0x38;
	[tilespmem:$0x1A000] =	vst v63  }
0x23: {  	s20 =	rddreg [dreg:$0xa];
	s21 =	simm.s32 $0x16000  }
0x24: {  	[tilespmem:s21], [sflag:$0x1] =	stream.linear.gather [hbm4b:s20+s2], $0x800, $0x38;
	[tilespmem:$0x1A000] =	vst v63  }
0x25: {  	s22 =	rddreg [dreg:$0x0]  }
0x26: {  	[tilespmem:s2], [sflag:$0x5] =	stream.linear.gather [hbm4b:s22+s2], $0x4000, $0x38;
	[tilespmem:$0x1A000] =	vst v63  }
0x27: {  	s17 =	rddreg [dreg:$0x3];
	s18 =	simm.s32 $0x4000  }
0x28: {  	[tilespmem:s18], [sflag:$0x5] =	stream.linear.gather [hbm4b:s17+s2], $0x4000, $0x38;
	[tilespmem:$0x1A000] =	vst v63  }
0x29: {  	s19 =	rddreg [dreg:$0x4];
	s20 =	simm.s32 $0x8000  }
0x2a: {  	[tilespmem:s20], [sflag:$0x5] =	stream.linear.gather [hbm4b:s19+s2], $0x4000, $0x38;
	[tilespmem:$0x1A000] =	vst v63  }
0x2b: {  	s21 =	rddreg [dreg:$0x5];
	s22 =	simm.s32 $0xC000  }
0x2c: {  	[tilespmem:s22], [sflag:$0x5] =	stream.linear.gather [hbm4b:s21+s2], $0x4000, $0x38;
	[tilespmem:$0x1A000] =	vst v63  }
0x2d: {  	s18 =	rddreg [dreg:$0x6];
	s19 =	simm.s32 $0x10000  }
0x2e: {  	[tilespmem:s19], [sflag:$0x5] =	stream.linear.gather [hbm4b:s18+s2], $0x4000, $0x38;
	[tilespmem:$0x1A000] =	vst v63  }
0x2f: {  	_ =	swait.ge [sflag:s9], $0x4000  }
0x30: {  	[sflag:s9] =	ssyncset.done $0x0  }
0x31: {  	[sflag:s9] =	ssyncadd.s32 $0xFFFFC000  }
0x32: {  	_ =	swait.ge [sflag:s9], $0x4000  }
0x33: {  	[sflag:s9] =	ssyncset.done $0x0  }
0x34: {  	[sflag:s9] =	ssyncadd.s32 $0xFFFFC000  }
0x35: {  	_ =	swait.ge [sflag:s9], $0x4000  }
0x36: {  	[sflag:s9] =	ssyncset.done $0x0  }
0x37: {  	[sflag:s9] =	ssyncadd.s32 $0xFFFFC000  }
0x38: {  	_ =	swait.ge [sflag:s9], $0x4000  }
0x39: {  	[sflag:s9] =	ssyncset.done $0x0  }
0x3a: {  	[sflag:s9] =	ssyncadd.s32 $0xFFFFC000  }
0x3b: {  	_ =	swait.ge [sflag:s9], $0x4000  }
0x3c: {  	[sflag:s9] =	ssyncset.done $0x0  }
0x3d: {  	[sflag:s9] =	ssyncadd.s32 $0xFFFFC000  }
0x3e: {  	_ =	swait.ge [sflag:s10], $0x800  }
0x3f: {  	[sflag:s10] =	ssyncset.done $0x0  }
0x40: {  	[sflag:s10] =	ssyncadd.s32 $0xFFFFF800  }
0x41: {  	_ =	swait.ge [sflag:s10], $0x800  }
0x42: {  	[sflag:s10] =	ssyncset.done $0x0  }
0x43: {  	[sflag:s10] =	ssyncadd.s32 $0xFFFFF800  }
0x44: {  	_ =	swait.ge [sflag:s10], $0x800  }
0x45: {  	[sflag:s10] =	ssyncset.done $0x0  }
0x46: {  	[sflag:s10] =	ssyncadd.s32 $0xFFFFF800  }
0x47: {  	_ =	swait.ge [sflag:s10], $0x800  }
0x48: {  	[sflag:s10] =	ssyncset.done $0x0  }
0x49: {  	[sflag:s10] =	ssyncadd.s32 $0xFFFFF800  }
0x4a: {  	_ =	swait.ge [sflag:s10], $0x800  }
0x4b: {  	[sflag:s10] =	ssyncset.done $0x0  }
0x4c: {  	s21 =	simm.s32 $0x16800;
	s20 =	rddreg [dreg:$0xb];
	[sflag:s10] =	ssyncadd.s32 $0xFFFFF800  }
0x4d: {  	[tilespmem:s21], [sflag:$0x2] =	stream.linear.gather [hbm4b:s20+s2], $0x800, $0x38;
	[tilespmem:$0x1A000] =	vst v63  }
0x4e: {  	s22 =	rddreg [dreg:$0xc]  }
0x4f: {  	[tilespmem:s12], [sflag:$0x2] =	stream.linear.gather [hbm4b:s22+s2], $0x800, $0x38;
	[tilespmem:$0x1A000] =	vst v63  }
0x50: {  	s17 =	rddreg [dreg:$0xd]  }
0x51: {  	[tilespmem:s1], [sflag:$0x2] =	stream.linear.gather [hbm4b:s17+s2], $0x800, $0x38;
	[tilespmem:$0x1A000] =	vst v63  }
0x52: {  	s18 =	rddreg [dreg:$0xe];
	s20 =	simm.s32 $0x0  }
0x53: {  	[tilespmem:s13], [sflag:$0x2] =	stream.linear.gather [hbm4b:s18+s2], $0x800, $0x38;
	[tilespmem:$0x1A000] =	vst v63  }
0x54: {  	s19 =	rddreg [dreg:$0xf];
	s11 =	sand.u32 $0x7F0, s20  }
0x55: {  	[tilespmem:s4], [sflag:$0x2] =	stream.linear.gather [hbm4b:s19+s2], $0x800, $0x38;
	[tilespmem:$0x1A000] =	vst v63  }
0x56: {  	s21 =	simm.s32 $0x15010;
	v0 =	vld [tilespmem:s11+$0x14800]  }
0x57: {  	v1 =	vld [tilespmem:s21+$0xFFFFEFF0]  }
0x58: {  	v2 =	vld [tilespmem:s11+$0x15000]  }
0x59: {  	v3 =	vld [tilespmem:s21+$0xFFFFF800]  }
0x5a: {  	v4 =	vld [tilespmem:s11+$0x15800]  }
0x5b: {  	v5 =	vld [tilespmem:s21+$0xFFFFF810]  }
0x5c: {  	v6 =	vld [tilespmem:s11+$0x16000]  }
0x5d: {  	v7 =	vld [tilespmem:s21+$0xFFFFF000]  }
0x5e: {  	v8 =	vld [tilespmem:s21+$0xFFFFF010]  }
0x5f: {  	v9 =	vld [tilespmem:s21+$0x0]  }
0x60: {  	v10 =	vld [tilespmem:s21+$0x10]  }
0x61: {  	v11 =	vld [tilespmem:s21+$0x800]  }
0x62: {  	s17 =	simm.s32 $0x30;
	v12 =	vld [tilespmem:s21+$0x810]  }
0x63: {  	s22 =	sand.u32 $0x7F0, s17;
	v13 =	vld [tilespmem:s21+$0x1000]  }
0x64: {  	s18 =	simm.s32 $0x15040;
	v15 =	vld [tilespmem:s22+$0x14800]  }
0x65: {  	v16 =	vld [tilespmem:s18+$0xFFFFEFF0]  }
0x66: {  	v17 =	vld [tilespmem:s22+$0x15000]  }
0x67: {  	v18 =	vld [tilespmem:s18+$0xFFFFF800]  }
0x68: {  	v19 =	vld [tilespmem:s22+$0x15800]  }
0x69: {  	v20 =	vld [tilespmem:s18+$0xFFFFF810]  }
0x6a: {  	v21 =	vld [tilespmem:s22+$0x16000]  }
0x6b: {  	v22 =	vld [tilespmem:s18+$0xFFFFF000]  }
0x6c: {  	v23 =	vld [tilespmem:s18+$0xFFFFF010]  }
0x6d: {  	v24 =	vld [tilespmem:s18+$0x0]  }
0x6e: {  	v59 =	vld [tilespmem:s18+$0x10];
	v0 =	vadd.s32 $0x4000, v0  }
0x6f: {  	v2 =	vadd.s32 $0x8000, v2;
	v1 =	vld.idx.msk [tilespmem:v1+s2+$0x0], $0xffff  }
0x70: {  	v4 =	vadd.s32 $0xC000, v4;
	v7 =	vld.idx.msk [tilespmem:v7+s2+$0x0], $0xffff  }
0x71: {  	v6 =	vadd.s32 $0x10000, v6;
	v8 =	vld.idx.msk [tilespmem:v8+s2+$0x0], $0xffff  }
0x72: {  	v3 =	vadd.s32 $0x4000, v3;
	v16 =	vld.idx.msk [tilespmem:v16+s2+$0x0], $0xffff  }
0x73: {  	v5 =	vadd.s32 $0x4000, v5;
	v0 =	vld.idx.msk [tilespmem:v0+s2+$0x0], $0xffff  }
0x74: {  	v9 =	vadd.s32 $0x8000, v9;
	v2 =	vld.idx.msk [tilespmem:v2+s2+$0x0], $0xffff  }
0x75: {  	v10 =	vadd.s32 $0x8000, v10;
	v4 =	vld.idx.msk [tilespmem:v4+s2+$0x0], $0xffff  }
0x76: {  	v15 =	vadd.s32 $0x4000, v15;
	v6 =	vld.idx.msk [tilespmem:v6+s2+$0x0], $0xffff  }
0x77: {  	v11 =	vadd.s32 $0xC000, v11;
	v3 =	vld.idx.msk [tilespmem:v3+s2+$0x0], $0xffff  }
0x78: {  	v17 =	vadd.s32 $0x8000, v17;
	v5 =	vld.idx.msk [tilespmem:v5+s2+$0x0], $0xffff  }
0x79: {  	v12 =	vadd.s32 $0xC000, v12;
	v9 =	vld.idx.msk [tilespmem:v9+s2+$0x0], $0xffff  }
0x7a: {  	v19 =	vadd.s32 $0xC000, v19;
	v10 =	vld.idx.msk [tilespmem:v10+s2+$0x0], $0xffff  }
0x7b: {  	v15 =	vld.idx.msk [tilespmem:v15+s2+$0x0], $0xffff  }
0x7c: {  	v21 =	vadd.s32 $0x10000, v21;
	v11 =	vld.idx.msk [tilespmem:v11+s2+$0x0], $0xffff  }
0x7d: {  	v17 =	vld.idx.msk [tilespmem:v17+s2+$0x0], $0xffff;
	v0 =	vadd.f32 v0, v1;
	v1 =	vadd.s32 $0x4000, v18  }
0x7e: {  	v12 =	vld.idx.msk [tilespmem:v12+s2+$0x0], $0xffff  }
0x7f: {  	v19 =	vld.idx.msk [tilespmem:v19+s2+$0x0], $0xffff;
	v0 =	vadd.f32 v2, v0  }
0x80: {  	v20 =	vadd.s32 $0x4000, v20;
	v15 =	vadd.f32 v15, v16;
	v2 =	vld [tilespmem:s18+$0x800]  }
0x81: {  	v60 =	vld.idx.msk [tilespmem:v21+s2+$0x0], $0xffff;
	v0 =	vadd.f32 v4, v0  }
0x82: {  	v15 =	vadd.f32 v17, v15;
	v62 =	vld.idx.msk [tilespmem:v1+s2+$0x0], $0xffff;
	v1 =	vadd.f32 v3, v7  }
0x83: {  	v61 =	vld [tilespmem:s18+$0x810];
	v0 =	vadd.f32 v6, v0;
	v6 =	vadd.f32 v5, v8  }
0x84: {  	v14 =	vld [tilespmem:s21+$0x1010];
	v3 =	vadd.s32 $0x8000, v24;
	v7 =	vadd.f32 v19, v15;
	v1 =	vadd.f32 v9, v1  }
0x85: {  	v4 =	vld.idx.msk [tilespmem:v20+s2+$0x0], $0xffff;
	v63 =	vadd.s32 $0xC000, v2;
	v2 =	vadd.f32 v10, v6;
	v6 =	vmul.f32 $2.000000030e-01, v0  }
0x86: {  	v15 =	vld.idx.msk [tilespmem:v22+s2+$0x0], $0xffff;
	v8 =	vadd.s32 $0x8000, v59;
	v7 =	vadd.f32 v60, v7  }
0x87: {  	v5 =	vld.idx.msk [tilespmem:v23+s2+$0x0], $0xffff;
	v0 =	vadd.f32 v11, v1;
	v1 =	vadd.f32 v12, v2;
	v2 =	vmax.f32 v6, $-3.402823470e+38  }
0x88: {  	v10 =	vld [tilespmem:s18+$0x1000];
	v12 =	vmin.f32 v2, $3.402823470e+38;
	v2 =	vadd.s32 $0x10000, v13;
	v13 =	vadd.s32 $0xC000, v61  }
0x89: {  	v9 =	vld [tilespmem:s18+$0x1010]  }
0x8a: {  	v11 =	vmul.f32 $2.000000030e-01, v7;
	v7 =	vld.idx.msk [tilespmem:v3+s2+$0x0], $0xffff  }
0x8b: {  	s20 =	simm.s32 $0x19010;
	v3 =	vadd.s32 $0x10000, v14;
	v6 =	vld.idx.msk [tilespmem:v8+s2+$0x0], $0xffff  }
0x8c: {  	s19 =	simm.s32 $0x0;
	s11 =	simm.s32 $0x0;
	s21 =	simm.s32 $0x19010;
	[tilespmem:s20+$0xFFFFFFF0] =	vst v12;
	v12 =	vmax.f32 v11, $-3.402823470e+38;
	v11 =	vadd.f32 v62, v15;
	v8 =	vld.idx.msk [tilespmem:v63+s2+$0x0], $0xffff  }
.LBB2_2:
0x8d: {  	s17 =	sadd.s32 $0x30, s17;
	v12 =	vmin.f32 v12, $3.402823470e+38;
	v10 =	vadd.s32 $0x10000, v10;
	v4 =	vadd.f32 v4, v5;
	v5 =	vld.idx.msk [tilespmem:v13+s19+$0x0], $0xffff;
	s20 =	sadd.s32 $0x30, s20  }
0x8e: {  	s22 =	sand.u32 $0x7F0, s17;
	p0 =	slt.u32 s17, $0x7B0;
	[tilespmem:s20+$0xFFFFFFF0] =	vst v12;
	v9 =	vadd.s32 $0x10000, v9;
	v12 =	vld.idx.msk [tilespmem:v2+s11+$0x0], $0xffff;
	v2 =	vmov v10  }
0x8f: {  	v10 =	vld [tilespmem:s22+$0x14800]  }
0x90: {  	s18 =	sadd.s32 $0x30, s18;
	v7 =	vadd.f32 v7, v11;
	v11 =	vld.idx.msk [tilespmem:v3+s11+$0x0], $0xffff;
	v3 =	vmov v9;
	s11 =	smov.u32 s19  }
0x91: {  	v4 =	vadd.f32 v6, v4;
	v9 =	vld [tilespmem:s18+$0xFFFFEFF0]  }
0x92: {  	v7 =	vadd.f32 v8, v7;
	v6 =	vld [tilespmem:s22+$0x15000]  }
0x93: {  	v4 =	vadd.f32 v5, v4;
	v8 =	vld [tilespmem:s18+$0xFFFFF800]  }
0x94: {  	v12 =	vadd.f32 v12, v0;
	v0 =	vmov v7;
	v5 =	vadd.s32 $0x4000, v10;
	v10 =	vld [tilespmem:s22+$0x15800]  }
0x95: {  	v7 =	vld [tilespmem:s18+$0xFFFFF810]  }
0x96: {  	v12 =	vmul.f32 $2.000000030e-01, v12;
	v11 =	vadd.f32 v11, v1;
	v1 =	vmov v4;
	v13 =	vld [tilespmem:s22+$0x16000]  }
0x97: {  	v4 =	vadd.s32 $0x8000, v6;
	v6 =	vld [tilespmem:s18+$0xFFFFF000]  }
0x98: {  	s19 =	simm.s32 $0x0;
	v12 =	vmax.f32 v12, $-3.402823470e+38;
	v11 =	vmul.f32 $2.000000030e-01, v11;
	v8 =	vadd.s32 $0x4000, v8;
	v14 =	vld [tilespmem:s18+$0xFFFFF010]  }
0x99: {  	v12 =	vmin.f32 v12, $3.402823470e+38;
	v5 =	vld.idx.msk [tilespmem:v5+s19+$0x0], $0xffff;
	v10 =	vadd.s32 $0xC000, v10  }
0x9a: {  	v11 =	vmax.f32 v11, $-3.402823470e+38;
	v9 =	vld.idx.msk [tilespmem:v9+s19+$0x0], $0xffff;
	v7 =	vadd.s32 $0x4000, v7;
	[tilespmem:s21+$0x0] =	vst v12  }
0x9b: {  	v11 =	vmin.f32 v11, $3.402823470e+38;
	v12 =	vadd.s32 $0x10000, v13;
	v13 =	vld [tilespmem:s18+$0x0]  }
0x9c: {  	v4 =	vld.idx.msk [tilespmem:v4+s19+$0x0], $0xffff;
	[tilespmem:s21+$0x10] =	vst v11;
	s21 =	smov.u32 s20  }
0x9d: {  	v11 =	vld [tilespmem:s18+$0x10]  }
0x9e: {  	v10 =	vld.idx.msk [tilespmem:v10+s19+$0x0], $0xffff  }
0x9f: {  	v15 =	vld [tilespmem:s18+$0x800]  }
0xa0: {  	v5 =	vadd.f32 v5, v9;
	v9 =	vld.idx.msk [tilespmem:v12+s19+$0x0], $0xffff;
	v12 =	vadd.s32 $0x8000, v13  }
0xa1: {  	v13 =	vld [tilespmem:s18+$0x810]  }
0xa2: {  	v5 =	vadd.f32 v4, v5;
	v8 =	vld.idx.msk [tilespmem:v8+s19+$0x0], $0xffff;
	v11 =	vadd.s32 $0x8000, v11  }
0xa3: {  	v4 =	vld.idx.msk [tilespmem:v7+s19+$0x0], $0xffff  }
0xa4: {  	v7 =	vadd.f32 v10, v5;
	v16 =	vld.idx.msk [tilespmem:v6+s19+$0x0], $0xffff;
	v15 =	vadd.s32 $0xC000, v15  }
0xa5: {  	v5 =	vld.idx.msk [tilespmem:v14+s19+$0x0], $0xffff  }
.Ltmp0:
0xa6: {  	v6 =	vadd.f32 v9, v7;
	v10 =	vld [tilespmem:s18+$0x1000];
	v13 =	vadd.s32 $0xC000, v13;
	(pc) =	sbr.rel @p0 .LBB2_2-.Ltmp0, $4  }
0xa7: {  	v9 =	vld [tilespmem:s18+$0x1010]  }
0xa8: {  	v14 =	vmul.f32 $2.000000030e-01, v6;
	v7 =	vld.idx.msk [tilespmem:v12+s19+$0x0], $0xffff  }
0xa9: {  	v6 =	vld.idx.msk [tilespmem:v11+s19+$0x0], $0xffff  }
0xaa: {  	v12 =	vmax.f32 v14, $-3.402823470e+38;
	v11 =	vadd.f32 v8, v16;
	v8 =	vld.idx.msk [tilespmem:v15+s19+$0x0], $0xffff  }
0xab: {  	_ =	sdelay $0x1  }
0xac: {  	v10 =	vadd.s32 $0x10000, v10  }
0xad: {  	v9 =	vadd.s32 $0x10000, v9  }
0xae: {  	v13 =	vld.idx.msk [tilespmem:v13+s19+$0x0], $0xffff  }
0xaf: {  	v2 =	vld.idx.msk [tilespmem:v2+s11+$0x0], $0xffff  }
0xb0: {  	v3 =	vld.idx.msk [tilespmem:v3+s11+$0x0], $0xffff  }
0xb1: {  	v4 =	vadd.f32 v4, v5;
	v54 =	vld.idx.msk [tilespmem:v10+s19+$0x0], $0xffff  }
0xb2: {  	v7 =	vadd.f32 v7, v11;
	v9 =	vld.idx.msk [tilespmem:v9+s19+$0x0], $0xffff  }
0xb3: {  	v4 =	vadd.f32 v6, v4  }
0xb4: {  	v55 =	vadd.f32 v8, v7;
	v0 =	vadd.f32 v2, v0  }
0xb5: {  	v56 =	vadd.f32 v13, v4;
	v1 =	vadd.f32 v3, v1  }
0xb6: {  	v0 =	vmul.f32 $2.000000030e-01, v0;
	v57 =	vadd.f32 v54, v55  }
0xb7: {  	v58 =	vmin.f32 v12, $3.402823470e+38;
	s18 =	sadd.s32 $0x30, s20;
	v1 =	vmul.f32 $2.000000030e-01, v1;
	v2 =	vadd.f32 v9, v56  }
0xb8: {  	[tilespmem:s18+$0xFFFFFFF0] =	vst v58;
	v0 =	vmax.f32 v0, $-3.402823470e+38;
	v3 =	vmul.f32 $2.000000030e-01, v57  }
0xb9: {  	v1 =	vmax.f32 v1, $-3.402823470e+38;
	v0 =	vmin.f32 v0, $3.402823470e+38;
	v2 =	vmul.f32 $2.000000030e-01, v2  }
0xba: {  	v59 =	vmin.f32 v1, $3.402823470e+38;
	[tilespmem:s21+$0x0] =	vst v0;
	v60 =	vmax.f32 v3, $-3.402823470e+38  }
0xbb: {  	[tilespmem:s21+$0x10] =	vst v59;
	v61 =	vmin.f32 v60, $3.402823470e+38;
	v62 =	vmax.f32 v2, $-3.402823470e+38  }
0xbc: {  	[tilespmem:s18+$0x0] =	vst v61;
	v63 =	vmin.f32 v62, $3.402823470e+38  }
0xbd: {  	s11 =	simm.s32 $0x7D0;
	s17 =	simm.s32 $0x7E0;
	[tilespmem:s18+$0x10] =	vst v63  }
.LBB2_4:
0xbe: {  	s18 =	sand.u32 $0x3FFFFF80, s17;
	s20 =	sshra.s32 s19, $0x2  }
0xbf: {  	s18 =	sadd.s32 s20, s18  }
0xc0: {  	s18 =	sadd.s32 $0x14000, s18  }
0xc1: {  	v0 =	vld [tilespmem:s18+$0x860]  }
0xc2: {  	v1 =	vld [tilespmem:s20+$0x147E0]  }
0xc3: {  	v2 =	vld [tilespmem:s18+$0x1060];
	_ =	sdelay $0x1  }
0xc4: {  	v3 =	vld [tilespmem:s18+$0x1860]  }
0xc5: {  	v0 =	vadd.s32 $0x4000, v0  }
0xc6: {  	v4 =	vld [tilespmem:s18+$0x2060]  }
0xc7: {  	v2 =	vadd.s32 $0x8000, v2;
	_ =	sdelay $0x1  }
0xc8: {  	v3 =	vadd.s32 $0xC000, v3;
	v1 =	vld.idx.msk [tilespmem:v1+s2+$0x0], $0xffff  }
0xc9: {  	v0 =	vld.idx.msk [tilespmem:v0+s2+$0x0], $0xffff  }
0xca: {  	v4 =	vadd.s32 $0x10000, v4  }
0xcb: {  	v2 =	vld.idx.msk [tilespmem:v2+s2+$0x0], $0xffff;
	_ =	sdelay $0x1  }
0xcc: {  	v3 =	vld.idx.msk [tilespmem:v3+s2+$0x0], $0xffff  }
0xcd: {  	v0 =	vadd.f32 v0, v1  }
0xce: {  	v63 =	vld.idx.msk [tilespmem:v4+s2+$0x0], $0xffff  }
0xcf: {  	v0 =	vadd.f32 v2, v0;
	_ =	sdelay $0x1  }
0xd0: {  	v0 =	vadd.f32 v3, v0;
	_ =	sdelay $0x1  }
0xd1: {  	s11 =	sadd.s32 $0x10, s11;
	v0 =	vadd.f32 v63, v0  }
0xd2: {  	p0 =	slt.u32 s11, $0x7F0  }
.Ltmp1:
0xd3: {  	v0 =	vmul.f32 $2.000000030e-01, v0;
	(pc) =	sbr.rel @p0 .LBB2_4-.Ltmp1, $4  }
0xd4: {  	_ = 	snop  }
0xd5: {  	v0 =	vmax.f32 v0, $-3.402823470e+38  }
0xd6: {  	v0 =	vmin.f32 v0, $3.402823470e+38  }
0xd7: {  	s17 =	sadd.s32 $0x10, s17;
	s19 =	sadd.s32 $0x40, s19;
	[tilespmem:s20+$0x197E0] =	vst v0  }
0xd8: {  	s11 =	rddreg [dreg:$0x10]  }
0xd9: {  	[hbm4b:s11+s2] =	stream.linear.scatter [tilespmem:s14], [sflag:$0x3], $0x800, $0x38;
	[tilespmem:$0x1A000] =	vst v63  }
0xda: {  	_ =	swait.ge [sflag:s5], $0x800  }
0xdb: {  	[sflag:s5] =	ssyncset.done $0x0  }
0xdc: {  	[sflag:s5] =	ssyncadd.s32 $0xFFFFF800  }
0xdd: {  	_ =	swait.ge [sflag:s5], $0x800  }
0xde: {  	[sflag:s5] =	ssyncset.done $0x0  }
0xdf: {  	[sflag:s5] =	ssyncadd.s32 $0xFFFFF800  }
0xe0: {  	_ =	swait.ge [sflag:s5], $0x800  }
0xe1: {  	[sflag:s5] =	ssyncset.done $0x0  }
0xe2: {  	[sflag:s5] =	ssyncadd.s32 $0xFFFFF800  }
0xe3: {  	_ =	swait.ge [sflag:s5], $0x800  }
0xe4: {  	[sflag:s5] =	ssyncset.done $0x0  }
0xe5: {  	[sflag:s5] =	ssyncadd.s32 $0xFFFFF800  }
0xe6: {  	_ =	swait.ge [sflag:s5], $0x800  }
0xe7: {  	[sflag:s5] =	ssyncset.done $0x0  }
0xe8: {  	s17 =	simm.s32 $0x14000;
	s22 =	rddreg [dreg:$0x11];
	[sflag:s5] =	ssyncadd.s32 $0xFFFFF800  }
0xe9: {  	[tilespmem:s17], [sflag:$0x1] =	stream.linear.gather [hbm4b:s22+s2], $0x800, $0x38;
	[tilespmem:$0x1A000] =	vst v63  }
0xea: {  	s17 =	simm.s32 $0x14800  }
0xeb: {  	[tilespmem:s17], [sflag:$0x1] =	stream.linear.gather [hbm4b:s24+s2], $0x800, $0x38;
	[tilespmem:$0x1A000] =	vst v63  }
0xec: {  	s18 =	simm.s32 $0x15000  }
0xed: {  	[tilespmem:s18], [sflag:$0x1] =	stream.linear.gather [hbm4b:s26+s2], $0x800, $0x38;
	[tilespmem:$0x1A000] =	vst v63  }
0xee: {  	s19 =	simm.s32 $0x15800;
	s21 =	simm.s32 $0x0  }
0xef: {  	[tilespmem:s19], [sflag:$0x1] =	stream.linear.gather [hbm4b:s28+s2], $0x800, $0x38;
	[tilespmem:$0x1A000] =	vst v63  }
0xf0: {  	s20 =	simm.s32 $0x16000;
	s11 =	sand.u32 $0x7F0, s21  }
0xf1: {  	[tilespmem:s20], [sflag:$0x1] =	stream.linear.gather [hbm4b:s29+s2], $0x800, $0x38;
	[tilespmem:$0x1A000] =	vst v63  }
0xf2: {  	v0 =	vld [tilespmem:s11+$0x18800]  }
0xf3: {  	v1 =	vld [tilespmem:s11+$0x18000]  }
0xf4: {  	v2 =	vld [tilespmem:s11+$0x16800]  }
0xf5: {  	s22 =	simm.s32 $0x30;
	v3 =	vld [tilespmem:s11+$0x17800]  }
0xf6: {  	s17 =	sand.u32 $0x7F0, s22;
	v4 =	vld [tilespmem:s11+$0x17000]  }
0xf7: {  	v6 =	vld [tilespmem:s17+$0x18800]  }
0xf8: {  	v7 =	vld [tilespmem:s17+$0x18000]  }
0xf9: {  	v8 =	vld [tilespmem:s17+$0x16800]  }
0xfa: {  	s18 =	simm.s32 $0x18820;
	v9 =	vld [tilespmem:s17+$0x17800]  }
0xfb: {  	v5 =	vld [tilespmem:s18+$0xFFFFDFF0]  }
0xfc: {  	v15 =	vld [tilespmem:s18+$0x0]  }
0xfd: {  	v16 =	vld [tilespmem:s18+$0xFFFFEFF0]  }
0xfe: {  	s21 =	simm.s32 $0x18850;
	v17 =	vld [tilespmem:s18+$0xFFFFF7F0]  }
0xff: {  	v57 =	vld [tilespmem:s21+$0xFFFFF000]  }
0x100: {  	v58 =	vld [tilespmem:s21+$0xFFFFF800]  }
0x101: {  	v59 =	vld [tilespmem:s21+$0xFFFFDFF0];
	v0 =	vadd.s32 $0x10000, v0  }
0x102: {  	v60 =	vld [tilespmem:s21+$0x0];
	v1 =	vadd.s32 $0xC000, v1  }
0x103: {  	v62 =	vld [tilespmem:s21+$0xFFFFFFF0]  }
0x104: {  	v3 =	vadd.s32 $0x8000, v3;
	v10 =	vld.idx.msk [tilespmem:v2+s2+$0x0], $0xffff  }
0x105: {  	v4 =	vadd.s32 $0x4000, v4;
	v2 =	vld [tilespmem:s18+$0xFFFFF000]  }
0x106: {  	v11 =	vld.idx.msk [tilespmem:v0+s2+$0x0], $0xffff  }
0x107: {  	v12 =	vld.idx.msk [tilespmem:v1+s2+$0x0], $0xffff  }
0x108: {  	v0 =	vld [tilespmem:s18+$0xFFFFE800]  }
0x109: {  	v13 =	vld.idx.msk [tilespmem:v3+s2+$0x0], $0xffff  }
0x10a: {  	v14 =	vld.idx.msk [tilespmem:v4+s2+$0x0], $0xffff  }
0x10b: {  	v9 =	vadd.s32 $0x8000, v9;
	v3 =	vld [tilespmem:s18+$0xFFFFE7F0]  }
0x10c: {  	v1 =	vld [tilespmem:s18+$0xFFFFE000]  }
0x10d: {  	v21 =	vld.idx.msk [tilespmem:v5+s2+$0x0], $0xffff;
	v0 =	vadd.s32 $0x4000, v0  }
0x10e: {  	v8 =	vld.idx.msk [tilespmem:v8+s2+$0x0], $0xffff  }
0x10f: {  	v4 =	vld [tilespmem:s18+$0xFFFFF800]  }
0x110: {  	v26 =	vld.idx.msk [tilespmem:v9+s2+$0x0], $0xffff;
	v3 =	vadd.s32 $0x4000, v3  }
0x111: {  	v10 =	vadd.f32 v14, v10;
	v14 =	vld [tilespmem:s21+$0xFFFFE7F0]  }
0x112: {  	v2 =	vadd.s32 $0x8000, v2;
	v19 =	vld.idx.msk [tilespmem:v0+s2+$0x0], $0xffff  }
0x113: {  	v0 =	vld [tilespmem:s18+$0xFFFFFFF0]  }
0x114: {  	v18 =	vld.idx.msk [tilespmem:v1+s2+$0x0], $0xffff;
	v1 =	vadd.s32 $0xC000, v4  }
0x115: {  	v4 =	vadd.s32 $0x10000, v15;
	v15 =	vadd.s32 $0x8000, v16;
	v20 =	vld.idx.msk [tilespmem:v3+s2+$0x0], $0xffff  }
0x116: {  	s20 =	simm.s32 $0x60;
	v7 =	vadd.s32 $0xC000, v7;
	v3 =	vld [tilespmem:s17+$0x17000]  }
0x117: {  	v16 =	vld.idx.msk [tilespmem:v2+s2+$0x0], $0xffff;
	s18 =	sand.u32 $0x7F0, s20  }
0x118: {  	v5 =	vld [tilespmem:s18+$0x18800];
	v0 =	vadd.s32 $0x10000, v0  }
0x119: {  	v6 =	vadd.s32 $0x10000, v6;
	v2 =	vadd.s32 $0xC000, v17;
	v17 =	vld.idx.msk [tilespmem:v1+s2+$0x0], $0xffff  }
0x11a: {  	v15 =	vld.idx.msk [tilespmem:v15+s2+$0x0], $0xffff  }
0x11b: {  	v25 =	vadd.s32 $0x4000, v3;
	v3 =	vld.idx.msk [tilespmem:v7+s2+$0x0], $0xffff  }
0x11c: {  	v7 =	vld [tilespmem:s21+$0xFFFFE000]  }
0x11d: {  	v24 =	vld.idx.msk [tilespmem:v0+s2+$0x0], $0xffff  }
0x11e: {  	v0 =	vld.idx.msk [tilespmem:v6+s2+$0x0], $0xffff  }
0x11f: {  	v6 =	vld [tilespmem:s21+$0xFFFFE800]  }
0x120: {  	v23 =	vld.idx.msk [tilespmem:v2+s2+$0x0], $0xffff  }
0x121: {  	v10 =	vadd.f32 v13, v10;
	v22 =	vld.idx.msk [tilespmem:v4+s2+$0x0], $0xffff;
	v13 =	vadd.f32 v20, v21  }
0x122: {  	v1 =	vld [tilespmem:s18+$0x18000];
	v18 =	vadd.f32 v19, v18  }
0x123: {  	v10 =	vadd.f32 v12, v10;
	v4 =	vld [tilespmem:s18+$0x16800];
	v12 =	vadd.f32 v15, v13  }
0x124: {  	v16 =	vadd.f32 v16, v18;
	v13 =	vld [tilespmem:s21+$0xFFFFEFF0];
	v6 =	vadd.s32 $0x4000, v6  }
0x125: {  	v10 =	vadd.f32 v11, v10;
	v11 =	vadd.f32 v23, v12;
	v12 =	vld.idx.msk [tilespmem:v7+s2+$0x0], $0xffff;
	v7 =	vadd.s32 $0xC000, v58  }
0x126: {  	v15 =	vadd.s32 $0x8000, v57;
	v16 =	vadd.f32 v17, v16;
	v17 =	vld [tilespmem:s21+$0xFFFFF7F0]  }
0x127: {  	v14 =	vadd.s32 $0x4000, v14;
	v2 =	vld [tilespmem:s18+$0x17800]  }
0x128: {  	v9 =	vld.idx.msk [tilespmem:v25+s2+$0x0], $0xffff;
	v16 =	vadd.f32 v22, v16  }
0x129: {  	v18 =	vadd.s32 $0x10000, v60;
	v61 =	vld.idx.msk [tilespmem:v6+s2+$0x0], $0xffff;
	v6 =	vmul.f32 $2.000000030e-01, v10;
	v10 =	vadd.f32 v24, v11  }
0x12a: {  	v16 =	vmul.f32 $2.000000030e-01, v16;
	v63 =	vadd.s32 $0x8000, v13;
	v7 =	vld.idx.msk [tilespmem:v7+s2+$0x0], $0xffff  }
0x12b: {  	v11 =	vld.idx.msk [tilespmem:v15+s2+$0x0], $0xffff;
	v15 =	vadd.s32 $0xC000, v17;
	v13 =	vmax.f32 v6, $-3.402823470e+38;
	v10 =	vmul.f32 $2.000000030e-01, v10  }
0x12c: {  	v6 =	vld.idx.msk [tilespmem:v14+s2+$0x0], $0xffff;
	v14 =	vmax.f32 v16, $-3.402823470e+38;
	v13 =	vmin.f32 v13, $3.402823470e+38  }
0x12d: {  	s19 =	simm.s32 $0x19820;
	v16 =	vadd.f32 v9, v8;
	v8 =	vld.idx.msk [tilespmem:v59+s2+$0x0], $0xffff;
	v9 =	vmin.f32 v14, $3.402823470e+38;
	[tilespmem:s11+$0x19800] =	vst v13;
	v10 =	vmax.f32 v10, $-3.402823470e+38  }
0x12e: {  	v14 =	vadd.s32 $0x10000, v62;
	[tilespmem:s19+$0x0] =	vst v9;
	v9 =	vld.idx.msk [tilespmem:v18+s2+$0x0], $0xffff;
	v10 =	vmin.f32 v10, $3.402823470e+38;
	v13 =	vadd.f32 v61, v12  }
0x12f: {  	v12 =	vadd.f32 v26, v16;
	[tilespmem:s19+$0xFFFFFFF0] =	vst v10;
	v10 =	vld.idx.msk [tilespmem:v63+s2+$0x0], $0xffff  }
.LBB2_6:
0x130: {  	s20 =	sadd.s32 $0x30, s20;
	v15 =	vld.idx.msk [tilespmem:v15+s2+$0x0], $0xffff;
	v11 =	vadd.f32 v11, v13  }
0x131: {  	s11 =	sand.u32 $0x7F0, s20;
	p0 =	slt.u32 s20, $0x7B0;
	v13 =	vld [tilespmem:s18+$0x17000];
	v3 =	vadd.f32 v3, v12  }
0x132: {  	v12 =	vld [tilespmem:s11+$0x18800];
	v7 =	vadd.f32 v7, v11  }
0x133: {  	v11 =	vadd.s32 $0x10000, v5;
	v0 =	vadd.f32 v0, v3;
	v3 =	vadd.f32 v6, v8;
	v6 =	vld.idx.msk [tilespmem:v14+s2+$0x0], $0xffff  }
0x134: {  	v8 =	vadd.s32 $0xC000, v1;
	v1 =	vld [tilespmem:s11+$0x18000];
	v16 =	vadd.f32 v9, v7  }
0x135: {  	v9 =	vadd.s32 $0x8000, v2;
	v7 =	vld [tilespmem:s11+$0x16800];
	v0 =	vmul.f32 $2.000000030e-01, v0;
	v3 =	vadd.f32 v10, v3  }
0x136: {  	v2 =	vld [tilespmem:s11+$0x17800];
	v10 =	vadd.s32 $0x4000, v13;
	v13 =	vmul.f32 $2.000000030e-01, v16  }
0x137: {  	v14 =	vld.idx.msk [tilespmem:v4+s2+$0x0], $0xffff;
	v4 =	vmax.f32 v0, $-3.402823470e+38;
	v15 =	vadd.f32 v15, v3;
	v5 =	vmov v12  }
0x138: {  	v0 =	vld.idx.msk [tilespmem:v11+s2+$0x0], $0xffff;
	v16 =	vmin.f32 v4, $3.402823470e+38;
	v11 =	vmax.f32 v13, $-3.402823470e+38  }
0x139: {  	s19 =	sadd.s32 $0x30, s19;
	v3 =	vld.idx.msk [tilespmem:v8+s2+$0x0], $0xffff;
	[tilespmem:s17+$0x19800] =	vst v16;
	v6 =	vadd.f32 v6, v15;
	v8 =	vmin.f32 v11, $3.402823470e+38;
	s17 =	smov.u32 s18  }
0x13a: {  	v12 =	vld.idx.msk [tilespmem:v9+s2+$0x0], $0xffff;
	[tilespmem:s19+$0x0] =	vst v8;
	v4 =	vmov v7  }
0x13b: {  	s21 =	sadd.s32 $0x30, s21;
	s18 =	smov.u32 s11;
	v8 =	vld.idx.msk [tilespmem:v10+s2+$0x0], $0xffff;
	v6 =	vmul.f32 $2.000000030e-01, v6  }
0x13c: {  	v7 =	vld [tilespmem:s21+$0xFFFFE800]  }
0x13d: {  	v9 =	vld [tilespmem:s21+$0xFFFFE000];
	v6 =	vmax.f32 v6, $-3.402823470e+38  }
0x13e: {  	v10 =	vld [tilespmem:s21+$0xFFFFF000];
	v6 =	vmin.f32 v6, $3.402823470e+38  }
0x13f: {  	v11 =	vld [tilespmem:s21+$0xFFFFE7F0];
	[tilespmem:s19+$0xFFFFFFF0] =	vst v6  }
0x140: {  	v6 =	vld [tilespmem:s21+$0xFFFFF800]  }
0x141: {  	v13 =	vld [tilespmem:s21+$0xFFFFDFF0];
	v7 =	vadd.s32 $0x4000, v7  }
0x142: {  	v15 =	vld [tilespmem:s21+$0x0]  }
0x143: {  	v16 =	vld [tilespmem:s21+$0xFFFFEFF0];
	v10 =	vadd.s32 $0x8000, v10  }
0x144: {  	v17 =	vadd.s32 $0x4000, v11;
	v18 =	vld [tilespmem:s21+$0xFFFFF7F0]  }
0x145: {  	v9 =	vld.idx.msk [tilespmem:v9+s2+$0x0], $0xffff;
	v19 =	vadd.s32 $0xC000, v6  }
0x146: {  	v20 =	vld.idx.msk [tilespmem:v7+s2+$0x0], $0xffff  }
0x147: {  	v21 =	vld [tilespmem:s21+$0xFFFFFFF0];
	v22 =	vadd.s32 $0x10000, v15  }
0x148: {  	v16 =	vadd.s32 $0x8000, v16;
	v11 =	vld.idx.msk [tilespmem:v10+s2+$0x0], $0xffff  }
.Ltmp2:
0x149: {  	v6 =	vld.idx.msk [tilespmem:v17+s2+$0x0], $0xffff;
	v15 =	vadd.s32 $0xC000, v18;
	(pc) =	sbr.rel @p0 .LBB2_6-.Ltmp2, $4  }
0x14a: {  	v7 =	vld.idx.msk [tilespmem:v19+s2+$0x0], $0xffff  }
0x14b: {  	v10 =	vadd.f32 v8, v14;
	v8 =	vld.idx.msk [tilespmem:v13+s2+$0x0], $0xffff  }
0x14c: {  	v13 =	vadd.f32 v20, v9;
	v14 =	vadd.s32 $0x10000, v21;
	v9 =	vld.idx.msk [tilespmem:v22+s2+$0x0], $0xffff  }
0x14d: {  	v12 =	vadd.f32 v12, v10;
	v10 =	vld.idx.msk [tilespmem:v16+s2+$0x0], $0xffff  }
0x14e: {  	_ =	sdelay $0x2  }
0x14f: {  	v16 =	vld [tilespmem:s18+$0x17000]  }
0x150: {  	v15 =	vld.idx.msk [tilespmem:v15+s2+$0x0], $0xffff  }
0x151: {  	v14 =	vld.idx.msk [tilespmem:v14+s2+$0x0], $0xffff  }
0x152: {  	v4 =	vld.idx.msk [tilespmem:v4+s2+$0x0], $0xffff;
	s11 =	sadd.s32 $0x30, s21  }
0x153: {  	v17 =	vld [tilespmem:s11+$0xFFFFE800]  }
0x154: {  	v18 =	vld [tilespmem:s11+$0xFFFFE000]  }
0x155: {  	v19 =	vld [tilespmem:s11+$0xFFFFE7F0]  }
0x156: {  	v20 =	vld [tilespmem:s11+$0xFFFFF000]  }
0x157: {  	v21 =	vld [tilespmem:s11+$0xFFFFDFF0]  }
0x158: {  	v5 =	vadd.s32 $0x10000, v5;
	v22 =	vld [tilespmem:s11+$0xFFFFEFF0]  }
0x159: {  	v1 =	vadd.s32 $0xC000, v1;
	v23 =	vld [tilespmem:s11+$0xFFFFF800]  }
0x15a: {  	v2 =	vadd.s32 $0x8000, v2;
	v24 =	vld [tilespmem:s11+$0xFFFFF7F0]  }
0x15b: {  	v25 =	vld [tilespmem:s11+$0x0]  }
0x15c: {  	v26 =	vld [tilespmem:s11+$0xFFFFFFF0]  }
0x15d: {  	v16 =	vadd.s32 $0x4000, v16;
	v5 =	vld.idx.msk [tilespmem:v5+s2+$0x0], $0xffff  }
0x15e: {  	v1 =	vld.idx.msk [tilespmem:v1+s2+$0x0], $0xffff;
	v17 =	vadd.s32 $0x4000, v17  }
0x15f: {  	v2 =	vld.idx.msk [tilespmem:v2+s2+$0x0], $0xffff;
	v19 =	vadd.s32 $0x4000, v19  }
0x160: {  	v20 =	vadd.s32 $0x8000, v20;
	v18 =	vld.idx.msk [tilespmem:v18+s2+$0x0], $0xffff  }
0x161: {  	v22 =	vadd.s32 $0x8000, v22;
	v21 =	vld.idx.msk [tilespmem:v21+s2+$0x0], $0xffff  }
0x162: {  	v23 =	vadd.s32 $0xC000, v23;
	v16 =	vld.idx.msk [tilespmem:v16+s2+$0x0], $0xffff  }
0x163: {  	v11 =	vadd.f32 v11, v13;
	v41 =	vadd.s32 $0xC000, v24;
	v17 =	vld.idx.msk [tilespmem:v17+s2+$0x0], $0xffff  }
0x164: {  	v3 =	vadd.f32 v3, v12;
	v45 =	vadd.f32 v6, v8;
	v42 =	vadd.s32 $0x10000, v25;
	v40 =	vld.idx.msk [tilespmem:v19+s2+$0x0], $0xffff  }
0x165: {  	v7 =	vadd.f32 v7, v11;
	v44 =	vadd.s32 $0x10000, v26;
	v43 =	vld.idx.msk [tilespmem:v20+s2+$0x0], $0xffff  }
0x166: {  	v0 =	vadd.f32 v0, v3;
	v3 =	vadd.f32 v10, v45;
	v46 =	vld.idx.msk [tilespmem:v22+s2+$0x0], $0xffff  }
0x167: {  	v7 =	vadd.f32 v9, v7;
	v47 =	vld.idx.msk [tilespmem:v23+s2+$0x0], $0xffff;
	v4 =	vadd.f32 v16, v4  }
0x168: {  	v3 =	vadd.f32 v15, v3;
	v49 =	vld.idx.msk [tilespmem:v41+s2+$0x0], $0xffff;
	v48 =	vadd.f32 v17, v18  }
0x169: {  	v12 =	vld.idx.msk [tilespmem:v42+s2+$0x0], $0xffff;
	v50 =	vadd.f32 v40, v21;
	v2 =	vadd.f32 v2, v4  }
0x16a: {  	v3 =	vadd.f32 v14, v3;
	v51 =	vld.idx.msk [tilespmem:v44+s2+$0x0], $0xffff;
	v9 =	vadd.f32 v43, v48  }
0x16b: {  	v0 =	vmul.f32 $2.000000030e-01, v0;
	v52 =	vadd.f32 v46, v50;
	v1 =	vadd.f32 v1, v2  }
0x16c: {  	v53 =	vmul.f32 $2.000000030e-01, v7;
	v3 =	vmul.f32 $2.000000030e-01, v3;
	v54 =	vadd.f32 v47, v9  }
0x16d: {  	v0 =	vmax.f32 v0, $-3.402823470e+38;
	v2 =	vadd.f32 v49, v52;
	v1 =	vadd.f32 v5, v1  }
0x16e: {  	v0 =	vmin.f32 v0, $3.402823470e+38;
	v3 =	vmax.f32 v3, $-3.402823470e+38;
	v55 =	vadd.f32 v12, v54  }
0x16f: {  	s22 =	sadd.s32 $0x30, s19;
	[tilespmem:s17+$0x19800] =	vst v0;
	v60 =	vmin.f32 v3, $3.402823470e+38;
	v57 =	vadd.f32 v51, v2;
	v56 =	vmul.f32 $2.000000030e-01, v1  }
0x170: {  	[tilespmem:s22+$0xFFFFFFF0] =	vst v60;
	v4 =	vmax.f32 v53, $-3.402823470e+38;
	v59 =	vmul.f32 $2.000000030e-01, v55  }
0x171: {  	v58 =	vmin.f32 v4, $3.402823470e+38;
	v1 =	vmul.f32 $2.000000030e-01, v57;
	v0 =	vmax.f32 v56, $-3.402823470e+38  }
0x172: {  	[tilespmem:s22+$0x0] =	vst v58;
	v0 =	vmin.f32 v0, $3.402823470e+38;
	v61 =	vmax.f32 v59, $-3.402823470e+38  }
0x173: {  	s20 =	sadd.s32 $0x30, s22;
	v1 =	vmax.f32 v1, $-3.402823470e+38;
	[tilespmem:s18+$0x19800] =	vst v0;
	v62 =	vmin.f32 v61, $3.402823470e+38  }
0x174: {  	s19 =	simm.s32 $0x19860;
	v63 =	vmin.f32 v1, $3.402823470e+38;
	[tilespmem:s20+$0x0] =	vst v62  }
0x175: {  	s11 =	simm.s32 $0x14000;
	s17 =	simm.s32 $0x7E0;
	s18 =	simm.s32 $0x7D0;
	[tilespmem:s20+$0xFFFFFFF0] =	vst v63  }
.LBB2_8:
0x176: {  	s20 =	sand.u32 $0x3FFFFF80, s17  }
0x177: {  	s21 =	sadd.s32 s20, s11  }
0x178: {  	v0 =	vld [tilespmem:s21+$0x3060]  }
0x179: {  	v1 =	vld [tilespmem:s21+$0x2860]  }
0x17a: {  	v2 =	vld [tilespmem:s21+$0x3860];
	_ =	sdelay $0x1  }
0x17b: {  	v3 =	vld [tilespmem:s21+$0x4060]  }
0x17c: {  	v0 =	vadd.s32 $0x4000, v0  }
0x17d: {  	v4 =	vld [tilespmem:s21+$0x4860]  }
0x17e: {  	v2 =	vadd.s32 $0x8000, v2;
	_ =	sdelay $0x1  }
0x17f: {  	v3 =	vadd.s32 $0xC000, v3;
	v1 =	vld.idx.msk [tilespmem:v1+s2+$0x0], $0xffff  }
0x180: {  	v0 =	vld.idx.msk [tilespmem:v0+s2+$0x0], $0xffff  }
0x181: {  	v4 =	vadd.s32 $0x10000, v4  }
0x182: {  	v2 =	vld.idx.msk [tilespmem:v2+s2+$0x0], $0xffff;
	_ =	sdelay $0x1  }
0x183: {  	v3 =	vld.idx.msk [tilespmem:v3+s2+$0x0], $0xffff  }
0x184: {  	v0 =	vadd.f32 v0, v1  }
0x185: {  	v63 =	vld.idx.msk [tilespmem:v4+s2+$0x0], $0xffff  }
0x186: {  	v0 =	vadd.f32 v2, v0;
	_ =	sdelay $0x1  }
0x187: {  	v0 =	vadd.f32 v3, v0;
	_ =	sdelay $0x1  }
0x188: {  	s18 =	sadd.s32 $0x10, s18;
	v0 =	vadd.f32 v63, v0  }
0x189: {  	p0 =	slt.u32 s18, $0x7F0  }
.Ltmp3:
0x18a: {  	v0 =	vmul.f32 $2.000000030e-01, v0;
	(pc) =	sbr.rel @p0 .LBB2_8-.Ltmp3, $4  }
0x18b: {  	_ = 	snop  }
0x18c: {  	v0 =	vmax.f32 v0, $-3.402823470e+38  }
0x18d: {  	s20 =	sadd.s32 s20, s19;
	v0 =	vmin.f32 v0, $3.402823470e+38  }
0x18e: {  	s17 =	sadd.s32 $0x10, s17;
	s19 =	sadd.s32 $0x10, s19;
	s11 =	sadd.s32 $0x10, s11;
	[tilespmem:s20+$0x0] =	vst v0  }
0x18f: {  	s11 =	rddreg [dreg:$0x12]  }
0x190: {  	[hbm4b:s11+s2] =	stream.linear.scatter [tilespmem:s15], [sflag:$0x4], $0x800, $0x38;
	[tilespmem:$0x1A000] =	vst v63  }
0x191: {  	_ =	swait.ge [sflag:s10], $0x800  }
0x192: {  	[sflag:s10] =	ssyncset.done $0x0  }
0x193: {  	[sflag:s10] =	ssyncadd.s32 $0xFFFFF800  }
0x194: {  	_ =	swait.ge [sflag:s10], $0x800  }
0x195: {  	[sflag:s10] =	ssyncset.done $0x0  }
0x196: {  	[sflag:s10] =	ssyncadd.s32 $0xFFFFF800  }
0x197: {  	_ =	swait.ge [sflag:s10], $0x800  }
0x198: {  	[sflag:s10] =	ssyncset.done $0x0  }
0x199: {  	[sflag:s10] =	ssyncadd.s32 $0xFFFFF800  }
0x19a: {  	_ =	swait.ge [sflag:s10], $0x800  }
0x19b: {  	[sflag:s10] =	ssyncset.done $0x0  }
0x19c: {  	[sflag:s10] =	ssyncadd.s32 $0xFFFFF800  }
0x19d: {  	_ =	swait.ge [sflag:s10], $0x800  }
0x19e: {  	[sflag:s10] =	ssyncset.done $0x0  }
0x19f: {  	s17 =	simm.s32 $0x16800;
	s20 =	rddreg [dreg:$0x13];
	[sflag:s10] =	ssyncadd.s32 $0xFFFFF800  }
0x1a0: {  	[tilespmem:s17], [sflag:$0x2] =	stream.linear.gather [hbm4b:s20+s2], $0x800, $0x38;
	[tilespmem:$0x1A000] =	vst v63  }
0x1a1: {  	_ = 	snop  }
0x1a2: {  	[tilespmem:s12], [sflag:$0x2] =	stream.linear.gather [hbm4b:s30+s2], $0x800, $0x38;
	[tilespmem:$0x1A000] =	vst v63  }
0x1a3: {  	_ = 	snop  }
0x1a4: {  	[tilespmem:s1], [sflag:$0x2] =	stream.linear.gather [hbm4b:s31+s2], $0x800, $0x38;
	[tilespmem:$0x1A000] =	vst v63  }
0x1a5: {  	_ = 	snop  }
0x1a6: {  	[tilespmem:s13], [sflag:$0x2] =	stream.linear.gather [hbm4b:s0+s2], $0x800, $0x38;
	[tilespmem:$0x1A000] =	vst v63  }
0x1a7: {  	_ = 	snop  }
0x1a8: {  	[tilespmem:s4], [sflag:$0x2] =	stream.linear.gather [hbm4b:s3+s2], $0x800, $0x38;
	[tilespmem:$0x1A000] =	vst v63  }
0x1a9: {  	_ =	swait.ge [sflag:s6], $0x800  }
0x1aa: {  	s21 =	simm.s32 $0x0;
	[sflag:s6] =	ssyncset.done $0x0  }
0x1ab: {  	s11 =	sand.u32 $0x7F0, s21;
	[sflag:s6] =	ssyncadd.s32 $0xFFFFF800  }
0x1ac: {  	s18 =	simm.s32 $0x15010;
	v0 =	vld [tilespmem:s11+$0x14800]  }
0x1ad: {  	v1 =	vld [tilespmem:s18+$0xFFFFEFF0]  }
0x1ae: {  	v2 =	vld [tilespmem:s11+$0x15000]  }
0x1af: {  	v3 =	vld [tilespmem:s18+$0xFFFFF800]  }
0x1b0: {  	v4 =	vld [tilespmem:s11+$0x15800]  }
0x1b1: {  	v5 =	vld [tilespmem:s18+$0xFFFFF810]  }
0x1b2: {  	v6 =	vld [tilespmem:s11+$0x16000]  }
0x1b3: {  	v7 =	vld [tilespmem:s18+$0xFFFFF000]  }
0x1b4: {  	v8 =	vld [tilespmem:s18+$0xFFFFF010]  }
0x1b5: {  	v9 =	vld [tilespmem:s18+$0x0]  }
0x1b6: {  	v10 =	vld [tilespmem:s18+$0x10]  }
0x1b7: {  	v11 =	vld [tilespmem:s18+$0x800]  }
0x1b8: {  	v12 =	vld [tilespmem:s18+$0x810]  }
0x1b9: {  	v13 =	vld [tilespmem:s18+$0x1000]  }
0x1ba: {  	s19 =	simm.s32 $0x15040;
	v14 =	vld [tilespmem:s18+$0x1010]  }
0x1bb: {  	v16 =	vld [tilespmem:s19+$0xFFFFEFF0]  }
0x1bc: {  	v18 =	vld [tilespmem:s19+$0xFFFFF800]  }
0x1bd: {  	v20 =	vld [tilespmem:s19+$0xFFFFF810]  }
0x1be: {  	v22 =	vld [tilespmem:s19+$0xFFFFF000]  }
0x1bf: {  	v23 =	vld [tilespmem:s19+$0xFFFFF010]  }
0x1c0: {  	s18 =	simm.s32 $0x30;
	v24 =	vld [tilespmem:s19+$0x0]  }
0x1c1: {  	v59 =	vld [tilespmem:s19+$0x10];
	s22 =	sand.u32 $0x7F0, s18  }
0x1c2: {  	v15 =	vld [tilespmem:s22+$0x14800]  }
0x1c3: {  	v17 =	vld [tilespmem:s22+$0x15000]  }
0x1c4: {  	v19 =	vld [tilespmem:s22+$0x15800]  }
0x1c5: {  	s17 =	simm.s32 $0x0;
	v21 =	vld [tilespmem:s22+$0x16000];
	v0 =	vadd.s32 $0x4000, v0  }
0x1c6: {  	v2 =	vadd.s32 $0x8000, v2;
	v1 =	vld.idx.msk [tilespmem:v1+s17+$0x0], $0xffff  }
0x1c7: {  	v4 =	vadd.s32 $0xC000, v4;
	v7 =	vld.idx.msk [tilespmem:v7+s17+$0x0], $0xffff  }
0x1c8: {  	v6 =	vadd.s32 $0x10000, v6;
	v8 =	vld.idx.msk [tilespmem:v8+s17+$0x0], $0xffff  }
0x1c9: {  	v3 =	vadd.s32 $0x4000, v3;
	v16 =	vld.idx.msk [tilespmem:v16+s17+$0x0], $0xffff  }
0x1ca: {  	v5 =	vadd.s32 $0x4000, v5;
	v0 =	vld.idx.msk [tilespmem:v0+s17+$0x0], $0xffff  }
0x1cb: {  	v9 =	vadd.s32 $0x8000, v9;
	v2 =	vld.idx.msk [tilespmem:v2+s17+$0x0], $0xffff  }
0x1cc: {  	v10 =	vadd.s32 $0x8000, v10;
	v4 =	vld.idx.msk [tilespmem:v4+s17+$0x0], $0xffff  }
0x1cd: {  	v15 =	vadd.s32 $0x4000, v15;
	v6 =	vld.idx.msk [tilespmem:v6+s17+$0x0], $0xffff  }
0x1ce: {  	v11 =	vadd.s32 $0xC000, v11;
	v3 =	vld.idx.msk [tilespmem:v3+s17+$0x0], $0xffff  }
0x1cf: {  	v17 =	vadd.s32 $0x8000, v17;
	v5 =	vld.idx.msk [tilespmem:v5+s17+$0x0], $0xffff  }
0x1d0: {  	v12 =	vadd.s32 $0xC000, v12;
	v9 =	vld.idx.msk [tilespmem:v9+s17+$0x0], $0xffff  }
0x1d1: {  	v19 =	vadd.s32 $0xC000, v19;
	v10 =	vld.idx.msk [tilespmem:v10+s17+$0x0], $0xffff  }
0x1d2: {  	v15 =	vld.idx.msk [tilespmem:v15+s17+$0x0], $0xffff  }
0x1d3: {  	v21 =	vadd.s32 $0x10000, v21;
	v11 =	vld.idx.msk [tilespmem:v11+s17+$0x0], $0xffff  }
0x1d4: {  	v17 =	vld.idx.msk [tilespmem:v17+s17+$0x0], $0xffff;
	v0 =	vadd.f32 v0, v1;
	v1 =	vadd.s32 $0x4000, v18  }
0x1d5: {  	v12 =	vld.idx.msk [tilespmem:v12+s17+$0x0], $0xffff  }
0x1d6: {  	v19 =	vld.idx.msk [tilespmem:v19+s17+$0x0], $0xffff;
	v0 =	vadd.f32 v2, v0  }
0x1d7: {  	v20 =	vadd.s32 $0x4000, v20;
	v2 =	vld [tilespmem:s19+$0x800];
	v15 =	vadd.f32 v15, v16  }
0x1d8: {  	v60 =	vld.idx.msk [tilespmem:v21+s17+$0x0], $0xffff;
	v0 =	vadd.f32 v4, v0  }
0x1d9: {  	v15 =	vadd.f32 v17, v15;
	v62 =	vld.idx.msk [tilespmem:v1+s17+$0x0], $0xffff;
	v1 =	vadd.f32 v3, v7  }
0x1da: {  	v61 =	vld [tilespmem:s19+$0x810];
	v0 =	vadd.f32 v6, v0;
	v6 =	vadd.f32 v5, v8  }
0x1db: {  	v3 =	vadd.s32 $0x8000, v24;
	v7 =	vadd.f32 v19, v15;
	v1 =	vadd.f32 v9, v1  }
0x1dc: {  	v4 =	vld.idx.msk [tilespmem:v20+s17+$0x0], $0xffff;
	v63 =	vadd.s32 $0xC000, v2;
	v2 =	vadd.f32 v10, v6;
	v6 =	vmul.f32 $2.000000030e-01, v0  }
0x1dd: {  	v8 =	vadd.s32 $0x8000, v59;
	v15 =	vld.idx.msk [tilespmem:v22+s17+$0x0], $0xffff;
	v7 =	vadd.f32 v60, v7  }
0x1de: {  	v5 =	vld.idx.msk [tilespmem:v23+s17+$0x0], $0xffff;
	v0 =	vadd.f32 v11, v1;
	v1 =	vadd.f32 v12, v2;
	v2 =	vmax.f32 v6, $-3.402823470e+38  }
0x1df: {  	v10 =	vld [tilespmem:s19+$0x1000];
	v12 =	vmin.f32 v2, $3.402823470e+38;
	v2 =	vadd.s32 $0x10000, v13;
	v13 =	vadd.s32 $0xC000, v61  }
0x1e0: {  	v9 =	vld [tilespmem:s19+$0x1010]  }
0x1e1: {  	v11 =	vmul.f32 $2.000000030e-01, v7;
	v7 =	vld.idx.msk [tilespmem:v3+s17+$0x0], $0xffff  }
0x1e2: {  	s21 =	simm.s32 $0x19010;
	v3 =	vadd.s32 $0x10000, v14;
	v6 =	vld.idx.msk [tilespmem:v8+s17+$0x0], $0xffff  }
0x1e3: {  	s20 =	simm.s32 $0x19010;
	s11 =	simm.s32 $0x0;
	[tilespmem:s21+$0xFFFFFFF0] =	vst v12;
	v12 =	vmax.f32 v11, $-3.402823470e+38;
	v11 =	vadd.f32 v62, v15;
	v8 =	vld.idx.msk [tilespmem:v63+s17+$0x0], $0xffff  }
.LBB2_10:
0x1e4: {  	s18 =	sadd.s32 $0x30, s18;
	v12 =	vmin.f32 v12, $3.402823470e+38;
	v10 =	vadd.s32 $0x10000, v10;
	v4 =	vadd.f32 v4, v5;
	v5 =	vld.idx.msk [tilespmem:v13+s17+$0x0], $0xffff;
	s21 =	sadd.s32 $0x30, s21  }
0x1e5: {  	s22 =	sand.u32 $0x7F0, s18;
	p0 =	slt.u32 s18, $0x7B0;
	[tilespmem:s21+$0xFFFFFFF0] =	vst v12;
	v9 =	vadd.s32 $0x10000, v9;
	v12 =	vld.idx.msk [tilespmem:v2+s11+$0x0], $0xffff;
	v2 =	vmov v10  }
0x1e6: {  	v10 =	vld [tilespmem:s22+$0x14800]  }
0x1e7: {  	s19 =	sadd.s32 $0x30, s19;
	v7 =	vadd.f32 v7, v11;
	v11 =	vld.idx.msk [tilespmem:v3+s11+$0x0], $0xffff;
	v3 =	vmov v9;
	s11 =	smov.u32 s17  }
0x1e8: {  	v4 =	vadd.f32 v6, v4;
	v9 =	vld [tilespmem:s19+$0xFFFFEFF0]  }
0x1e9: {  	v7 =	vadd.f32 v8, v7;
	v6 =	vld [tilespmem:s22+$0x15000]  }
0x1ea: {  	v4 =	vadd.f32 v5, v4;
	v8 =	vld [tilespmem:s19+$0xFFFFF800]  }
0x1eb: {  	v12 =	vadd.f32 v12, v0;
	v0 =	vmov v7;
	v5 =	vadd.s32 $0x4000, v10;
	v10 =	vld [tilespmem:s22+$0x15800]  }
0x1ec: {  	v7 =	vld [tilespmem:s19+$0xFFFFF810]  }
0x1ed: {  	v12 =	vmul.f32 $2.000000030e-01, v12;
	v11 =	vadd.f32 v11, v1;
	v1 =	vmov v4;
	v13 =	vld [tilespmem:s22+$0x16000]  }
0x1ee: {  	v4 =	vadd.s32 $0x8000, v6;
	v6 =	vld [tilespmem:s19+$0xFFFFF000]  }
0x1ef: {  	v12 =	vmax.f32 v12, $-3.402823470e+38;
	v11 =	vmul.f32 $2.000000030e-01, v11;
	v8 =	vadd.s32 $0x4000, v8;
	v14 =	vld [tilespmem:s19+$0xFFFFF010]  }
0x1f0: {  	v12 =	vmin.f32 v12, $3.402823470e+38;
	v5 =	vld.idx.msk [tilespmem:v5+s17+$0x0], $0xffff;
	v10 =	vadd.s32 $0xC000, v10  }
0x1f1: {  	v11 =	vmax.f32 v11, $-3.402823470e+38;
	v9 =	vld.idx.msk [tilespmem:v9+s17+$0x0], $0xffff;
	v7 =	vadd.s32 $0x4000, v7;
	[tilespmem:s20+$0x0] =	vst v12  }
0x1f2: {  	v11 =	vmin.f32 v11, $3.402823470e+38;
	v12 =	vadd.s32 $0x10000, v13;
	v13 =	vld [tilespmem:s19+$0x0]  }
0x1f3: {  	v4 =	vld.idx.msk [tilespmem:v4+s17+$0x0], $0xffff;
	[tilespmem:s20+$0x10] =	vst v11;
	s20 =	smov.u32 s21  }
0x1f4: {  	v11 =	vld [tilespmem:s19+$0x10]  }
0x1f5: {  	v10 =	vld.idx.msk [tilespmem:v10+s17+$0x0], $0xffff  }
0x1f6: {  	v15 =	vld [tilespmem:s19+$0x800]  }
0x1f7: {  	v5 =	vadd.f32 v5, v9;
	v9 =	vld.idx.msk [tilespmem:v12+s17+$0x0], $0xffff;
	v12 =	vadd.s32 $0x8000, v13  }
0x1f8: {  	v13 =	vld [tilespmem:s19+$0x810]  }
0x1f9: {  	v5 =	vadd.f32 v4, v5;
	v8 =	vld.idx.msk [tilespmem:v8+s17+$0x0], $0xffff;
	v11 =	vadd.s32 $0x8000, v11  }
0x1fa: {  	v4 =	vld.idx.msk [tilespmem:v7+s17+$0x0], $0xffff  }
0x1fb: {  	v7 =	vadd.f32 v10, v5;
	v16 =	vld.idx.msk [tilespmem:v6+s17+$0x0], $0xffff;
	v15 =	vadd.s32 $0xC000, v15  }
0x1fc: {  	v5 =	vld.idx.msk [tilespmem:v14+s17+$0x0], $0xffff  }
.Ltmp4:
0x1fd: {  	v6 =	vadd.f32 v9, v7;
	v10 =	vld [tilespmem:s19+$0x1000];
	v13 =	vadd.s32 $0xC000, v13;
	(pc) =	sbr.rel @p0 .LBB2_10-.Ltmp4, $4  }
0x1fe: {  	v9 =	vld [tilespmem:s19+$0x1010]  }
0x1ff: {  	v14 =	vmul.f32 $2.000000030e-01, v6;
	v7 =	vld.idx.msk [tilespmem:v12+s17+$0x0], $0xffff  }
0x200: {  	v6 =	vld.idx.msk [tilespmem:v11+s17+$0x0], $0xffff  }
0x201: {  	v12 =	vmax.f32 v14, $-3.402823470e+38;
	v11 =	vadd.f32 v8, v16;
	v8 =	vld.idx.msk [tilespmem:v15+s17+$0x0], $0xffff  }
0x202: {  	_ =	sdelay $0x1  }
0x203: {  	v10 =	vadd.s32 $0x10000, v10  }
0x204: {  	v9 =	vadd.s32 $0x10000, v9  }
0x205: {  	v13 =	vld.idx.msk [tilespmem:v13+s17+$0x0], $0xffff  }
0x206: {  	v2 =	vld.idx.msk [tilespmem:v2+s11+$0x0], $0xffff  }
0x207: {  	v3 =	vld.idx.msk [tilespmem:v3+s11+$0x0], $0xffff  }
0x208: {  	v4 =	vadd.f32 v4, v5;
	v54 =	vld.idx.msk [tilespmem:v10+s17+$0x0], $0xffff  }
0x209: {  	v7 =	vadd.f32 v7, v11;
	v9 =	vld.idx.msk [tilespmem:v9+s17+$0x0], $0xffff  }
0x20a: {  	v4 =	vadd.f32 v6, v4  }
0x20b: {  	v55 =	vadd.f32 v8, v7;
	v0 =	vadd.f32 v2, v0  }
0x20c: {  	v56 =	vadd.f32 v13, v4;
	v1 =	vadd.f32 v3, v1  }
0x20d: {  	v0 =	vmul.f32 $2.000000030e-01, v0;
	v57 =	vadd.f32 v54, v55  }
0x20e: {  	v58 =	vmin.f32 v12, $3.402823470e+38;
	s19 =	sadd.s32 $0x30, s21;
	v1 =	vmul.f32 $2.000000030e-01, v1;
	v2 =	vadd.f32 v9, v56  }
0x20f: {  	[tilespmem:s19+$0xFFFFFFF0] =	vst v58;
	v0 =	vmax.f32 v0, $-3.402823470e+38;
	v3 =	vmul.f32 $2.000000030e-01, v57  }
0x210: {  	v1 =	vmax.f32 v1, $-3.402823470e+38;
	v0 =	vmin.f32 v0, $3.402823470e+38;
	v2 =	vmul.f32 $2.000000030e-01, v2  }
0x211: {  	v59 =	vmin.f32 v1, $3.402823470e+38;
	[tilespmem:s20+$0x0] =	vst v0;
	v60 =	vmax.f32 v3, $-3.402823470e+38  }
0x212: {  	[tilespmem:s20+$0x10] =	vst v59;
	v61 =	vmin.f32 v60, $3.402823470e+38;
	v62 =	vmax.f32 v2, $-3.402823470e+38  }
0x213: {  	[tilespmem:s19+$0x0] =	vst v61;
	v63 =	vmin.f32 v62, $3.402823470e+38  }
0x214: {  	s11 =	simm.s32 $0x7D0;
	s18 =	simm.s32 $0x7E0;
	[tilespmem:s19+$0x10] =	vst v63  }
.LBB2_12:
0x215: {  	s19 =	sand.u32 $0x3FFFFF80, s18;
	s20 =	sshra.s32 s17, $0x2  }
0x216: {  	s19 =	sadd.s32 s20, s19  }
0x217: {  	s19 =	sadd.s32 $0x14000, s19  }
0x218: {  	v0 =	vld [tilespmem:s19+$0x860]  }
0x219: {  	v1 =	vld [tilespmem:s20+$0x147E0]  }
0x21a: {  	v2 =	vld [tilespmem:s19+$0x1060];
	_ =	sdelay $0x1  }
0x21b: {  	v3 =	vld [tilespmem:s19+$0x1860]  }
0x21c: {  	v0 =	vadd.s32 $0x4000, v0  }
0x21d: {  	v4 =	vld [tilespmem:s19+$0x2060]  }
0x21e: {  	v2 =	vadd.s32 $0x8000, v2;
	_ =	sdelay $0x1  }
0x21f: {  	v3 =	vadd.s32 $0xC000, v3;
	v1 =	vld.idx.msk [tilespmem:v1+s2+$0x0], $0xffff  }
0x220: {  	v0 =	vld.idx.msk [tilespmem:v0+s2+$0x0], $0xffff  }
0x221: {  	v4 =	vadd.s32 $0x10000, v4  }
0x222: {  	v2 =	vld.idx.msk [tilespmem:v2+s2+$0x0], $0xffff;
	_ =	sdelay $0x1  }
0x223: {  	v3 =	vld.idx.msk [tilespmem:v3+s2+$0x0], $0xffff  }
0x224: {  	v0 =	vadd.f32 v0, v1  }
0x225: {  	v63 =	vld.idx.msk [tilespmem:v4+s2+$0x0], $0xffff  }
0x226: {  	v0 =	vadd.f32 v2, v0;
	_ =	sdelay $0x1  }
0x227: {  	v0 =	vadd.f32 v3, v0;
	_ =	sdelay $0x1  }
0x228: {  	s11 =	sadd.s32 $0x10, s11;
	v0 =	vadd.f32 v63, v0  }
0x229: {  	p0 =	slt.u32 s11, $0x7F0  }
.Ltmp5:
0x22a: {  	v0 =	vmul.f32 $2.000000030e-01, v0;
	(pc) =	sbr.rel @p0 .LBB2_12-.Ltmp5, $4  }
0x22b: {  	_ = 	snop  }
0x22c: {  	v0 =	vmax.f32 v0, $-3.402823470e+38  }
0x22d: {  	v0 =	vmin.f32 v0, $3.402823470e+38  }
0x22e: {  	s18 =	sadd.s32 $0x10, s18;
	s17 =	sadd.s32 $0x40, s17;
	[tilespmem:s20+$0x197E0] =	vst v0  }
0x22f: {  	s11 =	rddreg [dreg:$0x14]  }
0x230: {  	[hbm4b:s11+s2] =	stream.linear.scatter [tilespmem:s14], [sflag:$0x3], $0x800, $0x38;
	[tilespmem:$0x1A000] =	vst v63  }
0x231: {  	_ =	swait.ge [sflag:s5], $0x800  }
0x232: {  	[sflag:s5] =	ssyncset.done $0x0  }
0x233: {  	[sflag:s5] =	ssyncadd.s32 $0xFFFFF800  }
0x234: {  	_ =	swait.ge [sflag:s5], $0x800  }
0x235: {  	[sflag:s5] =	ssyncset.done $0x0  }
0x236: {  	[sflag:s5] =	ssyncadd.s32 $0xFFFFF800  }
0x237: {  	_ =	swait.ge [sflag:s5], $0x800  }
0x238: {  	[sflag:s5] =	ssyncset.done $0x0  }
0x239: {  	[sflag:s5] =	ssyncadd.s32 $0xFFFFF800  }
0x23a: {  	_ =	swait.ge [sflag:s5], $0x800  }
0x23b: {  	[sflag:s5] =	ssyncset.done $0x0  }
0x23c: {  	[sflag:s5] =	ssyncadd.s32 $0xFFFFF800  }
0x23d: {  	_ =	swait.ge [sflag:s5], $0x800  }
0x23e: {  	[sflag:s5] =	ssyncset.done $0x0  }
0x23f: {  	[sflag:s5] =	ssyncadd.s32 $0xFFFFF800  }
0x240: {  	_ =	swait.ge [sflag:s16], $0x800  }
0x241: {  	s22 =	simm.s32 $0x0;
	[sflag:s16] =	ssyncset.done $0x0  }
0x242: {  	s11 =	sand.u32 $0x7F0, s22;
	[sflag:s16] =	ssyncadd.s32 $0xFFFFF800  }
0x243: {  	v0 =	vld [tilespmem:s11+$0x18800]  }
0x244: {  	v1 =	vld [tilespmem:s11+$0x18000]  }
0x245: {  	v2 =	vld [tilespmem:s11+$0x16800]  }
0x246: {  	s17 =	simm.s32 $0x30;
	v3 =	vld [tilespmem:s11+$0x17800]  }
0x247: {  	s17 =	sand.u32 $0x7F0, s17;
	v4 =	vld [tilespmem:s11+$0x17000]  }
0x248: {  	v6 =	vld [tilespmem:s17+$0x18800]  }
0x249: {  	v7 =	vld [tilespmem:s17+$0x18000]  }
0x24a: {  	v8 =	vld [tilespmem:s17+$0x16800]  }
0x24b: {  	s18 =	simm.s32 $0x18820;
	v9 =	vld [tilespmem:s17+$0x17800]  }
0x24c: {  	v5 =	vld [tilespmem:s18+$0xFFFFDFF0]  }
0x24d: {  	v15 =	vld [tilespmem:s18+$0x0]  }
0x24e: {  	v16 =	vld [tilespmem:s18+$0xFFFFEFF0]  }
0x24f: {  	s21 =	simm.s32 $0x18850;
	v17 =	vld [tilespmem:s18+$0xFFFFF7F0]  }
0x250: {  	v57 =	vld [tilespmem:s21+$0xFFFFF000]  }
0x251: {  	v58 =	vld [tilespmem:s21+$0xFFFFF800]  }
0x252: {  	v59 =	vld [tilespmem:s21+$0xFFFFDFF0];
	v0 =	vadd.s32 $0x10000, v0  }
0x253: {  	v60 =	vld [tilespmem:s21+$0x0];
	v1 =	vadd.s32 $0xC000, v1  }
0x254: {  	v62 =	vld [tilespmem:s21+$0xFFFFFFF0]  }
0x255: {  	v3 =	vadd.s32 $0x8000, v3;
	v10 =	vld.idx.msk [tilespmem:v2+s2+$0x0], $0xffff  }
0x256: {  	v4 =	vadd.s32 $0x4000, v4;
	v2 =	vld [tilespmem:s18+$0xFFFFF000]  }
0x257: {  	v11 =	vld.idx.msk [tilespmem:v0+s2+$0x0], $0xffff  }
0x258: {  	v12 =	vld.idx.msk [tilespmem:v1+s2+$0x0], $0xffff  }
0x259: {  	v0 =	vld [tilespmem:s18+$0xFFFFE800]  }
0x25a: {  	v13 =	vld.idx.msk [tilespmem:v3+s2+$0x0], $0xffff  }
0x25b: {  	v14 =	vld.idx.msk [tilespmem:v4+s2+$0x0], $0xffff  }
0x25c: {  	v9 =	vadd.s32 $0x8000, v9;
	v3 =	vld [tilespmem:s18+$0xFFFFE7F0]  }
0x25d: {  	v1 =	vld [tilespmem:s18+$0xFFFFE000]  }
0x25e: {  	v21 =	vld.idx.msk [tilespmem:v5+s2+$0x0], $0xffff;
	v0 =	vadd.s32 $0x4000, v0  }
0x25f: {  	v8 =	vld.idx.msk [tilespmem:v8+s2+$0x0], $0xffff  }
0x260: {  	v4 =	vld [tilespmem:s18+$0xFFFFF800]  }
0x261: {  	v26 =	vld.idx.msk [tilespmem:v9+s2+$0x0], $0xffff;
	v3 =	vadd.s32 $0x4000, v3  }
0x262: {  	v10 =	vadd.f32 v14, v10;
	v14 =	vld [tilespmem:s21+$0xFFFFE7F0]  }
0x263: {  	v2 =	vadd.s32 $0x8000, v2;
	v19 =	vld.idx.msk [tilespmem:v0+s2+$0x0], $0xffff  }
0x264: {  	v0 =	vld [tilespmem:s18+$0xFFFFFFF0]  }
0x265: {  	v18 =	vld.idx.msk [tilespmem:v1+s2+$0x0], $0xffff;
	v1 =	vadd.s32 $0xC000, v4  }
0x266: {  	v4 =	vadd.s32 $0x10000, v15;
	v15 =	vadd.s32 $0x8000, v16;
	v20 =	vld.idx.msk [tilespmem:v3+s2+$0x0], $0xffff  }
0x267: {  	s20 =	simm.s32 $0x60;
	v7 =	vadd.s32 $0xC000, v7;
	v3 =	vld [tilespmem:s17+$0x17000]  }
0x268: {  	v16 =	vld.idx.msk [tilespmem:v2+s2+$0x0], $0xffff;
	s18 =	sand.u32 $0x7F0, s20  }
0x269: {  	v5 =	vld [tilespmem:s18+$0x18800];
	v0 =	vadd.s32 $0x10000, v0  }
0x26a: {  	v6 =	vadd.s32 $0x10000, v6;
	v2 =	vadd.s32 $0xC000, v17;
	v17 =	vld.idx.msk [tilespmem:v1+s2+$0x0], $0xffff  }
0x26b: {  	v15 =	vld.idx.msk [tilespmem:v15+s2+$0x0], $0xffff  }
0x26c: {  	v25 =	vadd.s32 $0x4000, v3;
	v3 =	vld.idx.msk [tilespmem:v7+s2+$0x0], $0xffff  }
0x26d: {  	v7 =	vld [tilespmem:s21+$0xFFFFE000]  }
0x26e: {  	v24 =	vld.idx.msk [tilespmem:v0+s2+$0x0], $0xffff  }
0x26f: {  	v0 =	vld.idx.msk [tilespmem:v6+s2+$0x0], $0xffff  }
0x270: {  	v6 =	vld [tilespmem:s21+$0xFFFFE800]  }
0x271: {  	v23 =	vld.idx.msk [tilespmem:v2+s2+$0x0], $0xffff  }
0x272: {  	v10 =	vadd.f32 v13, v10;
	v22 =	vld.idx.msk [tilespmem:v4+s2+$0x0], $0xffff;
	v13 =	vadd.f32 v20, v21  }
0x273: {  	v1 =	vld [tilespmem:s18+$0x18000];
	v18 =	vadd.f32 v19, v18  }
0x274: {  	v10 =	vadd.f32 v12, v10;
	v4 =	vld [tilespmem:s18+$0x16800];
	v12 =	vadd.f32 v15, v13  }
0x275: {  	v16 =	vadd.f32 v16, v18;
	v13 =	vld [tilespmem:s21+$0xFFFFEFF0];
	v6 =	vadd.s32 $0x4000, v6  }
0x276: {  	v10 =	vadd.f32 v11, v10;
	v11 =	vadd.f32 v23, v12;
	v12 =	vld.idx.msk [tilespmem:v7+s2+$0x0], $0xffff;
	v7 =	vadd.s32 $0xC000, v58  }
0x277: {  	v15 =	vadd.s32 $0x8000, v57;
	v16 =	vadd.f32 v17, v16;
	v17 =	vld [tilespmem:s21+$0xFFFFF7F0]  }
0x278: {  	v14 =	vadd.s32 $0x4000, v14;
	v2 =	vld [tilespmem:s18+$0x17800]  }
0x279: {  	v9 =	vld.idx.msk [tilespmem:v25+s2+$0x0], $0xffff;
	v16 =	vadd.f32 v22, v16  }
0x27a: {  	v18 =	vadd.s32 $0x10000, v60;
	v61 =	vld.idx.msk [tilespmem:v6+s2+$0x0], $0xffff;
	v6 =	vmul.f32 $2.000000030e-01, v10;
	v10 =	vadd.f32 v24, v11  }
0x27b: {  	v16 =	vmul.f32 $2.000000030e-01, v16;
	v63 =	vadd.s32 $0x8000, v13;
	v7 =	vld.idx.msk [tilespmem:v7+s2+$0x0], $0xffff  }
0x27c: {  	v11 =	vld.idx.msk [tilespmem:v15+s2+$0x0], $0xffff;
	v15 =	vadd.s32 $0xC000, v17;
	v13 =	vmax.f32 v6, $-3.402823470e+38;
	v10 =	vmul.f32 $2.000000030e-01, v10  }
0x27d: {  	v6 =	vld.idx.msk [tilespmem:v14+s2+$0x0], $0xffff;
	v14 =	vmax.f32 v16, $-3.402823470e+38;
	v13 =	vmin.f32 v13, $3.402823470e+38  }
0x27e: {  	s19 =	simm.s32 $0x19820;
	v16 =	vadd.f32 v9, v8;
	v8 =	vld.idx.msk [tilespmem:v59+s2+$0x0], $0xffff;
	v9 =	vmin.f32 v14, $3.402823470e+38;
	[tilespmem:s11+$0x19800] =	vst v13;
	v10 =	vmax.f32 v10, $-3.402823470e+38  }
0x27f: {  	v14 =	vadd.s32 $0x10000, v62;
	[tilespmem:s19+$0x0] =	vst v9;
	v9 =	vld.idx.msk [tilespmem:v18+s2+$0x0], $0xffff;
	v10 =	vmin.f32 v10, $3.402823470e+38;
	v13 =	vadd.f32 v61, v12  }
0x280: {  	v12 =	vadd.f32 v26, v16;
	[tilespmem:s19+$0xFFFFFFF0] =	vst v10;
	v10 =	vld.idx.msk [tilespmem:v63+s2+$0x0], $0xffff  }
.LBB2_14:
0x281: {  	s20 =	sadd.s32 $0x30, s20;
	v15 =	vld.idx.msk [tilespmem:v15+s2+$0x0], $0xffff;
	v11 =	vadd.f32 v11, v13  }
0x282: {  	s11 =	sand.u32 $0x7F0, s20;
	p0 =	slt.u32 s20, $0x7B0;
	v13 =	vld [tilespmem:s18+$0x17000];
	v3 =	vadd.f32 v3, v12  }
0x283: {  	v12 =	vld [tilespmem:s11+$0x18800];
	v7 =	vadd.f32 v7, v11  }
0x284: {  	v11 =	vadd.s32 $0x10000, v5;
	v0 =	vadd.f32 v0, v3;
	v3 =	vadd.f32 v6, v8;
	v6 =	vld.idx.msk [tilespmem:v14+s2+$0x0], $0xffff  }
0x285: {  	v8 =	vadd.s32 $0xC000, v1;
	v1 =	vld [tilespmem:s11+$0x18000];
	v16 =	vadd.f32 v9, v7  }
0x286: {  	v9 =	vadd.s32 $0x8000, v2;
	v7 =	vld [tilespmem:s11+$0x16800];
	v0 =	vmul.f32 $2.000000030e-01, v0;
	v3 =	vadd.f32 v10, v3  }
0x287: {  	v2 =	vld [tilespmem:s11+$0x17800];
	v10 =	vadd.s32 $0x4000, v13;
	v13 =	vmul.f32 $2.000000030e-01, v16  }
0x288: {  	v14 =	vld.idx.msk [tilespmem:v4+s2+$0x0], $0xffff;
	v4 =	vmax.f32 v0, $-3.402823470e+38;
	v15 =	vadd.f32 v15, v3;
	v5 =	vmov v12  }
0x289: {  	v0 =	vld.idx.msk [tilespmem:v11+s2+$0x0], $0xffff;
	v16 =	vmin.f32 v4, $3.402823470e+38;
	v11 =	vmax.f32 v13, $-3.402823470e+38  }
0x28a: {  	s19 =	sadd.s32 $0x30, s19;
	v3 =	vld.idx.msk [tilespmem:v8+s2+$0x0], $0xffff;
	[tilespmem:s17+$0x19800] =	vst v16;
	v6 =	vadd.f32 v6, v15;
	v8 =	vmin.f32 v11, $3.402823470e+38;
	s17 =	smov.u32 s18  }
0x28b: {  	v12 =	vld.idx.msk [tilespmem:v9+s2+$0x0], $0xffff;
	[tilespmem:s19+$0x0] =	vst v8;
	v4 =	vmov v7  }
0x28c: {  	s21 =	sadd.s32 $0x30, s21;
	s18 =	smov.u32 s11;
	v8 =	vld.idx.msk [tilespmem:v10+s2+$0x0], $0xffff;
	v6 =	vmul.f32 $2.000000030e-01, v6  }
0x28d: {  	v7 =	vld [tilespmem:s21+$0xFFFFE800]  }
0x28e: {  	v9 =	vld [tilespmem:s21+$0xFFFFE000];
	v6 =	vmax.f32 v6, $-3.402823470e+38  }
0x28f: {  	v10 =	vld [tilespmem:s21+$0xFFFFF000];
	v6 =	vmin.f32 v6, $3.402823470e+38  }
0x290: {  	v11 =	vld [tilespmem:s21+$0xFFFFE7F0];
	[tilespmem:s19+$0xFFFFFFF0] =	vst v6  }
0x291: {  	v6 =	vld [tilespmem:s21+$0xFFFFF800]  }
0x292: {  	v13 =	vld [tilespmem:s21+$0xFFFFDFF0];
	v7 =	vadd.s32 $0x4000, v7  }
0x293: {  	v15 =	vld [tilespmem:s21+$0x0]  }
0x294: {  	v16 =	vld [tilespmem:s21+$0xFFFFEFF0];
	v10 =	vadd.s32 $0x8000, v10  }
0x295: {  	v17 =	vadd.s32 $0x4000, v11;
	v18 =	vld [tilespmem:s21+$0xFFFFF7F0]  }
0x296: {  	v9 =	vld.idx.msk [tilespmem:v9+s2+$0x0], $0xffff;
	v19 =	vadd.s32 $0xC000, v6  }
0x297: {  	v20 =	vld.idx.msk [tilespmem:v7+s2+$0x0], $0xffff  }
0x298: {  	v21 =	vld [tilespmem:s21+$0xFFFFFFF0];
	v22 =	vadd.s32 $0x10000, v15  }
0x299: {  	v16 =	vadd.s32 $0x8000, v16;
	v11 =	vld.idx.msk [tilespmem:v10+s2+$0x0], $0xffff  }
.Ltmp6:
0x29a: {  	v6 =	vld.idx.msk [tilespmem:v17+s2+$0x0], $0xffff;
	v15 =	vadd.s32 $0xC000, v18;
	(pc) =	sbr.rel @p0 .LBB2_14-.Ltmp6, $4  }
0x29b: {  	v7 =	vld.idx.msk [tilespmem:v19+s2+$0x0], $0xffff  }
0x29c: {  	v10 =	vadd.f32 v8, v14;
	v8 =	vld.idx.msk [tilespmem:v13+s2+$0x0], $0xffff  }
0x29d: {  	v13 =	vadd.f32 v20, v9;
	v14 =	vadd.s32 $0x10000, v21;
	v9 =	vld.idx.msk [tilespmem:v22+s2+$0x0], $0xffff  }
0x29e: {  	v12 =	vadd.f32 v12, v10;
	v10 =	vld.idx.msk [tilespmem:v16+s2+$0x0], $0xffff  }
0x29f: {  	_ =	sdelay $0x2  }
0x2a0: {  	v16 =	vld [tilespmem:s18+$0x17000]  }
0x2a1: {  	v15 =	vld.idx.msk [tilespmem:v15+s2+$0x0], $0xffff  }
0x2a2: {  	v14 =	vld.idx.msk [tilespmem:v14+s2+$0x0], $0xffff  }
0x2a3: {  	v4 =	vld.idx.msk [tilespmem:v4+s2+$0x0], $0xffff;
	s11 =	sadd.s32 $0x30, s21  }
0x2a4: {  	v17 =	vld [tilespmem:s11+$0xFFFFE800]  }
0x2a5: {  	v18 =	vld [tilespmem:s11+$0xFFFFE000]  }
0x2a6: {  	v19 =	vld [tilespmem:s11+$0xFFFFE7F0]  }
0x2a7: {  	v20 =	vld [tilespmem:s11+$0xFFFFF000]  }
0x2a8: {  	v21 =	vld [tilespmem:s11+$0xFFFFDFF0]  }
0x2a9: {  	v5 =	vadd.s32 $0x10000, v5;
	v22 =	vld [tilespmem:s11+$0xFFFFEFF0]  }
0x2aa: {  	v1 =	vadd.s32 $0xC000, v1;
	v23 =	vld [tilespmem:s11+$0xFFFFF800]  }
0x2ab: {  	v2 =	vadd.s32 $0x8000, v2;
	v24 =	vld [tilespmem:s11+$0xFFFFF7F0]  }
0x2ac: {  	v25 =	vld [tilespmem:s11+$0x0]  }
0x2ad: {  	v26 =	vld [tilespmem:s11+$0xFFFFFFF0]  }
0x2ae: {  	v16 =	vadd.s32 $0x4000, v16;
	v5 =	vld.idx.msk [tilespmem:v5+s2+$0x0], $0xffff  }
0x2af: {  	v1 =	vld.idx.msk [tilespmem:v1+s2+$0x0], $0xffff;
	v17 =	vadd.s32 $0x4000, v17  }
0x2b0: {  	v2 =	vld.idx.msk [tilespmem:v2+s2+$0x0], $0xffff;
	v19 =	vadd.s32 $0x4000, v19  }
0x2b1: {  	v20 =	vadd.s32 $0x8000, v20;
	v18 =	vld.idx.msk [tilespmem:v18+s2+$0x0], $0xffff  }
0x2b2: {  	v22 =	vadd.s32 $0x8000, v22;
	v21 =	vld.idx.msk [tilespmem:v21+s2+$0x0], $0xffff  }
0x2b3: {  	v23 =	vadd.s32 $0xC000, v23;
	v16 =	vld.idx.msk [tilespmem:v16+s2+$0x0], $0xffff  }
0x2b4: {  	v11 =	vadd.f32 v11, v13;
	v41 =	vadd.s32 $0xC000, v24;
	v17 =	vld.idx.msk [tilespmem:v17+s2+$0x0], $0xffff  }
0x2b5: {  	v3 =	vadd.f32 v3, v12;
	v45 =	vadd.f32 v6, v8;
	v42 =	vadd.s32 $0x10000, v25;
	v40 =	vld.idx.msk [tilespmem:v19+s2+$0x0], $0xffff  }
0x2b6: {  	v7 =	vadd.f32 v7, v11;
	v44 =	vadd.s32 $0x10000, v26;
	v43 =	vld.idx.msk [tilespmem:v20+s2+$0x0], $0xffff  }
0x2b7: {  	v0 =	vadd.f32 v0, v3;
	v3 =	vadd.f32 v10, v45;
	v46 =	vld.idx.msk [tilespmem:v22+s2+$0x0], $0xffff  }
0x2b8: {  	v7 =	vadd.f32 v9, v7;
	v47 =	vld.idx.msk [tilespmem:v23+s2+$0x0], $0xffff;
	v4 =	vadd.f32 v16, v4  }
0x2b9: {  	v3 =	vadd.f32 v15, v3;
	v49 =	vld.idx.msk [tilespmem:v41+s2+$0x0], $0xffff;
	v48 =	vadd.f32 v17, v18  }
0x2ba: {  	v12 =	vld.idx.msk [tilespmem:v42+s2+$0x0], $0xffff;
	v50 =	vadd.f32 v40, v21;
	v2 =	vadd.f32 v2, v4  }
0x2bb: {  	v3 =	vadd.f32 v14, v3;
	v51 =	vld.idx.msk [tilespmem:v44+s2+$0x0], $0xffff;
	v9 =	vadd.f32 v43, v48  }
0x2bc: {  	v0 =	vmul.f32 $2.000000030e-01, v0;
	v52 =	vadd.f32 v46, v50;
	v1 =	vadd.f32 v1, v2  }
0x2bd: {  	v53 =	vmul.f32 $2.000000030e-01, v7;
	v3 =	vmul.f32 $2.000000030e-01, v3;
	v54 =	vadd.f32 v47, v9  }
0x2be: {  	v0 =	vmax.f32 v0, $-3.402823470e+38;
	v2 =	vadd.f32 v49, v52;
	v1 =	vadd.f32 v5, v1  }
0x2bf: {  	v0 =	vmin.f32 v0, $3.402823470e+38;
	v3 =	vmax.f32 v3, $-3.402823470e+38;
	v55 =	vadd.f32 v12, v54  }
0x2c0: {  	s22 =	sadd.s32 $0x30, s19;
	[tilespmem:s17+$0x19800] =	vst v0;
	v60 =	vmin.f32 v3, $3.402823470e+38;
	v57 =	vadd.f32 v51, v2;
	v56 =	vmul.f32 $2.000000030e-01, v1  }
0x2c1: {  	[tilespmem:s22+$0xFFFFFFF0] =	vst v60;
	v4 =	vmax.f32 v53, $-3.402823470e+38;
	v59 =	vmul.f32 $2.000000030e-01, v55  }
0x2c2: {  	v58 =	vmin.f32 v4, $3.402823470e+38;
	v1 =	vmul.f32 $2.000000030e-01, v57;
	v0 =	vmax.f32 v56, $-3.402823470e+38  }
0x2c3: {  	[tilespmem:s22+$0x0] =	vst v58;
	v0 =	vmin.f32 v0, $3.402823470e+38;
	v61 =	vmax.f32 v59, $-3.402823470e+38  }
0x2c4: {  	s20 =	sadd.s32 $0x30, s22;
	v1 =	vmax.f32 v1, $-3.402823470e+38;
	[tilespmem:s18+$0x19800] =	vst v0;
	v62 =	vmin.f32 v61, $3.402823470e+38  }
0x2c5: {  	s19 =	simm.s32 $0x19860;
	v63 =	vmin.f32 v1, $3.402823470e+38;
	[tilespmem:s20+$0x0] =	vst v62  }
0x2c6: {  	s11 =	simm.s32 $0x14000;
	s17 =	simm.s32 $0x7E0;
	s18 =	simm.s32 $0x7D0;
	[tilespmem:s20+$0xFFFFFFF0] =	vst v63  }
.LBB2_16:
0x2c7: {  	s20 =	sand.u32 $0x3FFFFF80, s17  }
0x2c8: {  	s21 =	sadd.s32 s20, s11  }
0x2c9: {  	v0 =	vld [tilespmem:s21+$0x3060]  }
0x2ca: {  	v1 =	vld [tilespmem:s21+$0x2860]  }
0x2cb: {  	v2 =	vld [tilespmem:s21+$0x3860];
	_ =	sdelay $0x1  }
0x2cc: {  	v3 =	vld [tilespmem:s21+$0x4060]  }
0x2cd: {  	v0 =	vadd.s32 $0x4000, v0  }
0x2ce: {  	v4 =	vld [tilespmem:s21+$0x4860]  }
0x2cf: {  	v2 =	vadd.s32 $0x8000, v2;
	_ =	sdelay $0x1  }
0x2d0: {  	v3 =	vadd.s32 $0xC000, v3;
	v1 =	vld.idx.msk [tilespmem:v1+s2+$0x0], $0xffff  }
0x2d1: {  	v0 =	vld.idx.msk [tilespmem:v0+s2+$0x0], $0xffff  }
0x2d2: {  	v4 =	vadd.s32 $0x10000, v4  }
0x2d3: {  	v2 =	vld.idx.msk [tilespmem:v2+s2+$0x0], $0xffff;
	_ =	sdelay $0x1  }
0x2d4: {  	v3 =	vld.idx.msk [tilespmem:v3+s2+$0x0], $0xffff  }
0x2d5: {  	v0 =	vadd.f32 v0, v1  }
0x2d6: {  	v63 =	vld.idx.msk [tilespmem:v4+s2+$0x0], $0xffff  }
0x2d7: {  	v0 =	vadd.f32 v2, v0;
	_ =	sdelay $0x1  }
0x2d8: {  	v0 =	vadd.f32 v3, v0;
	_ =	sdelay $0x1  }
0x2d9: {  	s18 =	sadd.s32 $0x10, s18;
	v0 =	vadd.f32 v63, v0  }
0x2da: {  	p0 =	slt.u32 s18, $0x7F0  }
.Ltmp7:
0x2db: {  	v0 =	vmul.f32 $2.000000030e-01, v0;
	(pc) =	sbr.rel @p0 .LBB2_16-.Ltmp7, $4  }
0x2dc: {  	_ = 	snop  }
0x2dd: {  	v0 =	vmax.f32 v0, $-3.402823470e+38  }
0x2de: {  	s20 =	sadd.s32 s20, s19;
	v0 =	vmin.f32 v0, $3.402823470e+38  }
0x2df: {  	s17 =	sadd.s32 $0x10, s17;
	s19 =	sadd.s32 $0x10, s19;
	s11 =	sadd.s32 $0x10, s11;
	[tilespmem:s20+$0x0] =	vst v0  }
0x2e0: {  	[hbm4b:s23+s2] =	stream.linear.scatter [tilespmem:s15], [sflag:$0x4], $0x800, $0x38;
	[tilespmem:$0x1A000] =	vst v63  }
0x2e1: {  	s7 =	sadd.s32 $0x1, s7  }
0x2e2: {  	_ =	swait.ge [sflag:s6], $0x800;
	p0 =	sne.s32 s7, s25  }
.Ltmp8:
0x2e3: {  	[sflag:s6] =	ssyncset.done $0x0;
	(pc) =	sbr.rel @p0 .LBB2_1-.Ltmp8, $4  }
0x2e4: {  	[sflag:s6] =	ssyncadd.s32 $0xFFFFF800  }
0x2e5: {  	_ =	swait.ge [sflag:s16], $0x800  }
0x2e6: {  	[sflag:s16] =	ssyncset.done $0x0  }
0x2e7: {  	[sflag:s16] =	ssyncadd.s32 $0xFFFFF800  }
0x2e8: {  	_ =	sfence.sel $0x180000  }
0x2e9: {  	[bflag:$0x0] =	sbarrier.arrive $0xFFFF  }
0x2ea: {  	_ =	strace $0x90000047  }
0x2eb: {  	s0 =	stileid.u32;
	[bflag:$0x2] =	sbarrier.arrive $0xFFFF  }
0x2ec: {  	p0 =	sne.s32 s0, $0x0;
	s0 =	rddreg [dreg:$0x2]  }
0x2ed: {  	s0 =	sadd.s32 @!p0 $0x100000, s0  }
0x2ee: {  	[sflag:s0] =	ssyncadd.tile.s32 @!p0 $0x1;
	_ =	shalt  }
.Lfunc_end2:
_tile_overlayer_lowered:
.L_overlay_start_2:
0x2ef: {  	(tag) =	ssettag $0x2  }
0x2f0: {  	s0 =	rddreg [dreg:$0x0];
	s2 =	stileid.u32  }
0x2f1: {  	s1 =	rddreg [dreg:$0x1];
	p0 =	sne.s32 s2, $0x0  }
0x2f2: {  	s3 =	rddreg [dreg:$0x2];
	[bflag:$0x3] =	sbarrier.arrive $0xFFFF;
	s2 =	simm.s32 @!p0 $0x1C05  }
0x2f3: {  	[timem:s3], [sflag:s2] =	dma.local @!p0 [hbm:s0], s1  }
0x2f4: {  	s0 =	simm.s32 @!p0 $0x5  }
0x2f5: {  	_ =	swait.ge @!p0 [sflag:s0], s1  }
0x2f6: {  	s1 =	ssub.s32 @!p0 $0x0, s1;
	[sflag:s0] =	ssyncset.done @!p0 $0x0  }
0x2f7: {  	[sflag:s0] =	ssyncadd.s32 @!p0 s1  }
0x2f8: {  	[bflag:$0x3] =	sbarrier.arrive $0xFFFF  }
0x2f9: {  	_ =	shalt  }

</sc_bundles>
